<compile_context>
chip_gen: v7x
topology: tpu7x:2x2x1
jax: 0.10.2.dev20260603
libtpu: 0.0.44.dev20260713+nightly
codegen_flags: <defaults>
</compile_context>

<pallas_src>
import functools

import jax
import jax.numpy as jnp
from jax import lax
from jax.experimental import pallas as pl
from jax.experimental.pallas import tpu as pltpu
from jax.experimental.pallas import tpu_sc as plsc

_LANES = 16
_CHUNK = 1024
_GSUB = 128


_CH = 512
_PP = _CH // _GSUB



@functools.partial(jax.jit, static_argnums=(1, 2))
def _detile_weight(wT, V, D):
    VBF = V // 128
    SB = VBF // 4
    n_iter = (SB + 31) // 32

    info = plsc.get_sparse_core_info()
    nc = info.num_cores
    mesh = plsc.VectorSubcoreMesh(core_axis_name="c", subcore_axis_name="s")

    @functools.partial(
        pl.kernel,
        mesh=mesh,
        out_type=jax.ShapeDtypeStruct((V * D,), jnp.float32),
        scratch_types=[
            pltpu.VMEM((16, 8, 128), jnp.float32),
            pltpu.VMEM((16384,), jnp.float32),
            pltpu.SemaphoreType.DMA,
            pltpu.SemaphoreType.DMA,
        ],
        compiler_params=pltpu.CompilerParams(
            use_tc_tiling_on_sc=True, needs_layout_passes=False,
            disable_bounds_checks=True),
    )
    def detile_kernel(wT_hbm, tail_hbm, wlin_hbm, tbuf, obuf, sem, osem):
        wid = lax.axis_index("s") * nc + lax.axis_index("c")
        lanes = lax.iota(jnp.int32, _LANES)

        def sb_body(i, carry):
            sb = i * 32 + wid

            @pl.when(sb < SB)
            def _():
                for dblk in range(D // 8):
                    for t in range(4):
                        pltpu.async_copy(
                            wT_hbm.at[pl.ds(dblk * 8, 8),
                                      pl.ds(pl.multiple_of(
                                          (sb * 4 + t) * 128, 128), 128)],
                            tbuf.at[dblk * 4 + t], sem)
                for k in range(16):
                    pltpu.make_async_copy(
                        wT_hbm.at[pl.ds(0, 8), pl.ds(0, 128)],
                        tbuf.at[k], sem).wait()

                def jb_body(jb, carry2):
                    t = jb // 8
                    cvec = (jb % 8) * _LANES + lanes
                    jvec = t * 128 + cvec
                    for dg in range(D // 8):
                        vals, poss = [], []
                        for dd in range(8):
                            rot = (dg * 8 + dd + lanes) & (D - 1)
                            vals.append(plsc.load_gather(
                                tbuf, [(rot >> 3) * 4 + t, rot & 7, cvec]))
                            poss.append(jvec * D + rot)
                        for dd in range(8):
                            plsc.store_scatter(obuf, [poss[dd]], vals[dd])
                    return carry2

                lax.fori_loop(0, 32, jb_body, 0)
                pltpu.async_copy(
                    obuf,
                    wlin_hbm.at[pl.ds(pl.multiple_of(sb * 16384, 16384),
                                      16384)], osem)
                pltpu.make_async_copy(
                    obuf, wlin_hbm.at[pl.ds(0, 16384)], osem).wait()
            return carry

        lax.fori_loop(0, n_iter, sb_body, 0)

        @pl.when(wid == 0)
        def _():
            pltpu.sync_copy(tail_hbm, obuf.at[pl.ds(0, (V % 128) * D)])
            pltpu.sync_copy(obuf.at[pl.ds(0, (V % 128) * D)],
                            wlin_hbm.at[pl.ds(VBF * 128 * D, (V % 128) * D)])

    tail = wT.T[V - V % 128:].reshape((V % 128) * D)
    return detile_kernel(wT, tail)

@functools.partial(jax.jit, static_argnums=(3, 4, 5, 6, 7, 8))
def _masked_gather(weight, mask, widx, V, D, N, NW, B, H):
    PIECES = N // _GSUB
    PPW = PIECES // NW
    n_chunks = PPW // _PP
    BB = B // 128
    DBLK = D // 8
    info = plsc.get_sparse_core_info()
    nc = info.num_cores

    mesh = plsc.VectorSubcoreMesh(core_axis_name="c", subcore_axis_name="s")

    @functools.partial(
        pl.kernel,
        mesh=mesh,
        out_type=jax.ShapeDtypeStruct((N * D,), jnp.float32),
        scratch_types=[
            pltpu.VMEM((2, _CH), jnp.int32),
            pltpu.VMEM((2, _CH), jnp.float32),
            pltpu.VMEM((2, _CH, D), jnp.float32),
            pltpu.VMEM((2, _PP, DBLK * 8 * _GSUB), jnp.float32),
            pltpu.SemaphoreType.DMA,
            pltpu.SemaphoreType.DMA,
            pltpu.SemaphoreType.DMA,
            pltpu.SemaphoreType.DMA,
        ],
        compiler_params=pltpu.CompilerParams(
            use_tc_tiling_on_sc=False, needs_layout_passes=False,
            disable_bounds_checks=True),
    )
    def gather_kernel(weight_hbm, mask_hbm, widx_hbm, out_hbm,
                      idx_v, mval_v, rows_v, obuf,
                      gsem0, gsem1, osem0, osem1):
        wid = lax.axis_index("s") * nc + lax.axis_index("c")
        gsem = (gsem0, gsem1)
        osem = (osem0, osem1)

        def fire_gathers(c, s):
            start = pl.multiple_of((wid * PPW + c * _PP) * _GSUB, _CH)
            pltpu.sync_copy(widx_hbm.at[pl.ds(start, _CH)], idx_v.at[s])
            for j in range(_PP):
                sub = idx_v.at[s, pl.ds(j * _GSUB, _GSUB)]
                pltpu.async_copy(
                    weight_hbm.at[sub],
                    rows_v.at[s, pl.ds(j * _GSUB, _GSUB)], gsem[s])
                pltpu.async_copy(
                    mask_hbm.at[sub],
                    mval_v.at[s, pl.ds(j * _GSUB, _GSUB)], gsem[s])

        def drain_gathers(s):
            pltpu.make_async_copy(
                weight_hbm.at[pl.ds(0, _CH), :], rows_v.at[s], gsem[s]).wait()
            pltpu.make_async_copy(
                mask_hbm.at[pl.ds(0, _CH)], mval_v.at[s], gsem[s]).wait()

        def fire_outs(c, s):
            gp0 = wid * PPW + c * _PP
            for p in range(_PP):
                gp = gp0 + p
                hblk = gp // (BB * 8)
                rem = gp % (BB * 8)
                bblk = rem // 8
                hsub = rem % 8
                h = hblk * 8 + hsub
                base = h * (D * B) + bblk * 1024
                for dblk in range(DBLK):
                    off = pl.multiple_of(base + dblk * (8 * B), 1024)
                    pltpu.async_copy(
                        obuf.at[s, p, pl.ds(dblk * 1024, 1024)],
                        out_hbm.at[pl.ds(off, 1024)], osem[s])

        def drain_outs(s):
            for p in range(_PP):
                pltpu.make_async_copy(
                    obuf.at[s, p], out_hbm.at[pl.ds(0, DBLK * 8 * _GSUB)],
                    osem[s]).wait()

        def compute(s):
            def piece_body(p, carry2):
                lanes = lax.iota(jnp.int32, _LANES)
                for dg in range(D // 8):
                    rots = [(dg * 8 + dd + lanes) & (D - 1) for dd in range(8)]
                    opos = [((r >> 3) << 10) + ((r & 7) << 7) for r in rots]
                    for jb in range(8):
                        rbase = p * _GSUB + jb * _LANES
                        rowvec = rbase + lanes
                        mvec = mval_v[s, pl.ds(rbase, _LANES)]
                        obase = jb * _LANES + lanes
                        vals = [plsc.load_gather(rows_v.at[s], [rowvec, rots[dd]])
                                for dd in range(8)]
                        for dd in range(8):
                            plsc.store_scatter(
                                obuf.at[s, p], [opos[dd] + obase],
                                vals[dd] * mvec)
                return carry2

            lax.fori_loop(0, _PP, piece_body, 0)

        fire_gathers(0, 0)

        def pair_body(cp, carry):
            for s in range(2):
                c = cp * 2 + s

                @pl.when(c + 1 < n_chunks)
                def _():
                    fire_gathers(c + 1, 1 - s)

                drain_gathers(s)

                @pl.when(c >= 2)
                def _():
                    drain_outs(s)

                compute(s)
                fire_outs(c, s)
            return carry

        lax.fori_loop(0, n_chunks // 2, pair_body, 0)
        drain_outs(0)
        drain_outs(1)

    return gather_kernel(weight, mask, widx)


def kernel(weight, words, p):
    V, D = weight.shape
    B, H = words.shape
    N = B * H
    mask = jax.random.bernoulli(
        jax.random.key(42), p, (V,)).astype(jnp.float32) / p
    info = plsc.get_sparse_core_info()
    NW = info.num_cores * info.num_subcores
    widx = (words.astype(jnp.int32)
            .reshape(B // 128, 128, H // 8, 8)
            .transpose(2, 0, 3, 1)
            .reshape(N))
    wlin = _detile_weight(weight.T, V, D).reshape(V, D)
    out1d = _masked_gather(wlin, mask, widx, V, D, N, NW, B, H)
    a = out1d.reshape(H, D // 8, B // 128, 8, 128)
    return a.transpose(2, 4, 0, 1, 3).reshape(B, H, D)

# --- scband reference (transcript-rebuilt; emitter-appended) ---
"""Pipeline reference for scband-embedding-dropout-8813272891966 (READ-ONLY COPY).

The authoritative reference and input builder live on the scoring server;
editing this copy changes nothing except your own understanding.
"""

import jax, jax.numpy as jnp
import numpy as np

VOCAB = 1000000
DIM = 32
BATCH = 4096
HIST = 200

def setup_inputs(seed: int = 0) -> dict:
    key = jax.random.key(seed)
    k1, k2 = jax.random.split(key)
    weight = jax.random.normal(k1, (VOCAB, DIM), dtype=jnp.float32)
    words = jax.random.randint(k2, (BATCH, HIST), 0, VOCAB, dtype=jnp.int64)
    return {"weight": weight, "words": words, "p": 0.5}

def reference(weight, words, p):
    # Faithful translation of EmbeddingDropout.forward:
    #   mask = Bernoulli(p, size=[vocab]) / p  (row-wise keep mask, inverted-dropout scaling)
    #   masked_weights = mask[:, None] * embed.weight
    #   out = F.embedding(words, masked_weights, padding_idx=0)
    # padding_idx only affects weight gradients in torch, not the forward lookup.
    mask_key = jax.random.key(42)
    mask = jax.random.bernoulli(mask_key, p, (weight.shape[0],)).astype(jnp.float32) / p
    masked_weights = mask[:, None] * weight
    embedding = jnp.take(masked_weights, words, axis=0).astype(jnp.float32)
    return embedding

if __name__ == "__main__":
    import jax
    _d = setup_inputs()
    print(jax.jit(kernel)(*tuple(_d.values())))

</pallas_src>

<mosaic_0001>
#map = affine_map<(d0, d1) -> (0, 0)>
#map1 = affine_map<(d0, d1) -> (0)>
module attributes {stable_mosaic.version = 14 : i64} {
  func.func @detile_kernel(%arg0: i32, %arg1: i32, %arg2: memref<32x1000000xf32, #tpu.memory_space<hbm>>, %arg3: memref<2048xf32, #tpu.memory_space<hbm>>, %arg4: memref<32000000xf32, #tpu.memory_space<hbm>>, %arg5: memref<16x8x128xf32, #tpu.memory_space<vmem>>, %arg6: memref<16384xf32, #tpu.memory_space<vmem>>, %arg7: memref<!tpu.dma_semaphore, #tpu.memory_space<semaphore_mem>>, %arg8: memref<!tpu.dma_semaphore, #tpu.memory_space<semaphore_mem>>) attributes {dimension_semantics = [#tpu.dimension_semantics<core_parallel>, #tpu.dimension_semantics<subcore_parallel>], iteration_bounds = array<i64: 2, 16>, scalar_prefetch = 0 : i64, scratch_operands = 4 : i64, tpu.core_type = #tpu.core_type<sc_vector_subcore>, window_params = [{transform_indices = #map}, {transform_indices = #map1}, {transform_indices = #map1}]} {
    %mul3A = arith.constant 2 : i32
    %mul3A_0 = arith.muli %arg1, %mul3A : i32
    %add3A = arith.addi %mul3A_0, %arg0 : i32
    %iota3A = tpu.iota {dimensions = array<i32: 0>} : vector<16xi32>
    %scan3A = arith.constant 0 : i32
    %scan3A_1 = arith.constant 0 : i32
    %scan3A_2 = arith.constant 62 : i32
    %scan3A_3 = arith.addi %scan3A_1, %scan3A_2 : i32
    %scan3A_4 = arith.constant 1 : i32
    scf.for %scan3A_8 = %scan3A_1 to %scan3A_3 step %scan3A_4  : i32 {
      %mul3A_9 = arith.constant 32 : i32
      %mul3A_10 = arith.muli %scan3A_8, %mul3A_9 : i32
      %add3A_11 = arith.addi %mul3A_10, %add3A : i32
      %lt3A = arith.constant 1953 : i32
      %lt3A_12 = arith.cmpi slt, %add3A_11, %lt3A : i32
      %convert_element_type3A_13 = arith.extui %lt3A_12 : i1 to i32
      %cond3A_14 = arith.constant 0 : i32
      %cond3A_15 = arith.cmpi ne, %convert_element_type3A_13, %cond3A_14 : i32
      scf.if %cond3A_15 {
        %mul3A_16 = arith.constant 4 : i32
        %mul3A_17 = arith.muli %add3A_11, %mul3A_16 : i32
        %add3A_18 = arith.constant 0 : i32
        %add3A_19 = arith.addi %mul3A_17, %add3A_18 : i32
        %mul3A_20 = arith.constant 128 : i32
        %mul3A_21 = arith.muli %add3A_19, %mul3A_20 : i32
        %multiple_of3A = tpu.assume_multiple %mul3A_21, 128 : i32
        %dma_start3A = arith.constant 0 : i32
        %dma_start3A_22 = arith.constant 0 : i32
        %dma_start3A_23 = arith.constant 0 : i32
        %dma_start3A_24 = tpu.memref_slice %arg5[%dma_start3A, %dma_start3A_22, %dma_start3A_23] : memref<16x8x128xf32, #tpu.memory_space<vmem>> -> memref<1x8x128xf32, #tpu.memory_space<vmem>>
        %dma_start3A_25 = tpu.memref_squeeze %dma_start3A_24 : memref<1x8x128xf32, #tpu.memory_space<vmem>> -> memref<8x128xf32, #tpu.memory_space<vmem>>
        %dma_start3A_26 = arith.constant 0 : i32
        %dma_start3A_27 = tpu.memref_slice %arg2[%dma_start3A_26, %multiple_of3A] : memref<32x1000000xf32, #tpu.memory_space<hbm>> -> memref<8x128xf32, #tpu.memory_space<hbm>>
        %dma_start3A_28 = arith.constant 0 : i32
        %dma_start3A_29 = arith.constant 0 : i32
        %dma_start3A_30 = tpu.memref_slice %arg5[%dma_start3A, %dma_start3A_28, %dma_start3A_29] : memref<16x8x128xf32, #tpu.memory_space<vmem>> -> memref<1x8x128xf32, #tpu.memory_space<vmem>>
        %dma_start3A_31 = tpu.memref_squeeze %dma_start3A_30 : memref<1x8x128xf32, #tpu.memory_space<vmem>> -> memref<8x128xf32, #tpu.memory_space<vmem>>
        %dma_start3A_32 = arith.constant 0 : i32
        %dma_start3A_33 = tpu.memref_slice %arg2[%dma_start3A_32, %multiple_of3A] : memref<32x1000000xf32, #tpu.memory_space<hbm>> -> memref<8x128xf32, #tpu.memory_space<hbm>>
        tpu.enqueue_dma source(%dma_start3A_33 : memref<8x128xf32, #tpu.memory_space<hbm>>) target(%dma_start3A_31 : memref<8x128xf32, #tpu.memory_space<vmem>>) target_semaphore(%arg7 : memref<!tpu.dma_semaphore, #tpu.memory_space<semaphore_mem>>)
        %mul3A_34 = arith.constant 4 : i32
        %mul3A_35 = arith.muli %add3A_11, %mul3A_34 : i32
        %add3A_36 = arith.constant 1 : i32
        %add3A_37 = arith.addi %mul3A_35, %add3A_36 : i32
        %mul3A_38 = arith.constant 128 : i32
        %mul3A_39 = arith.muli %add3A_37, %mul3A_38 : i32
        %multiple_of3A_40 = tpu.assume_multiple %mul3A_39, 128 : i32
        %dma_start3A_41 = arith.constant 1 : i32
        %dma_start3A_42 = arith.constant 0 : i32
        %dma_start3A_43 = arith.constant 0 : i32
        %dma_start3A_44 = tpu.memref_slice %arg5[%dma_start3A_41, %dma_start3A_42, %dma_start3A_43] : memref<16x8x128xf32, #tpu.memory_space<vmem>> -> memref<1x8x128xf32, #tpu.memory_space<vmem>>
        %dma_start3A_45 = tpu.memref_squeeze %dma_start3A_44 : memref<1x8x128xf32, #tpu.memory_space<vmem>> -> memref<8x128xf32, #tpu.memory_space<vmem>>
        %dma_start3A_46 = arith.constant 0 : i32
        %dma_start3A_47 = tpu.memref_slice %arg2[%dma_start3A_46, %multiple_of3A_40] : memref<32x1000000xf32, #tpu.memory_space<hbm>> -> memref<8x128xf32, #tpu.memory_space<hbm>>
        %dma_start3A_48 = arith.constant 0 : i32
        %dma_start3A_49 = arith.constant 0 : i32
        %dma_start3A_50 = tpu.memref_slice %arg5[%dma_start3A_41, %dma_start3A_48, %dma_start3A_49] : memref<16x8x128xf32, #tpu.memory_space<vmem>> -> memref<1x8x128xf32, #tpu.memory_space<vmem>>
        %dma_start3A_51 = tpu.memref_squeeze %dma_start3A_50 : memref<1x8x128xf32, #tpu.memory_space<vmem>> -> memref<8x128xf32, #tpu.memory_space<vmem>>
        %dma_start3A_52 = arith.constant 0 : i32
        %dma_start3A_53 = tpu.memref_slice %arg2[%dma_start3A_52, %multiple_of3A_40] : memref<32x1000000xf32, #tpu.memory_space<hbm>> -> memref<8x128xf32, #tpu.memory_space<hbm>>
        tpu.enqueue_dma source(%dma_start3A_53 : memref<8x128xf32, #tpu.memory_space<hbm>>) target(%dma_start3A_51 : memref<8x128xf32, #tpu.memory_space<vmem>>) target_semaphore(%arg7 : memref<!tpu.dma_semaphore, #tpu.memory_space<semaphore_mem>>)
        %mul3A_54 = arith.constant 4 : i32
        %mul3A_55 = arith.muli %add3A_11, %mul3A_54 : i32
        %add3A_56 = arith.constant 2 : i32
        %add3A_57 = arith.addi %mul3A_55, %add3A_56 : i32
        %mul3A_58 = arith.constant 128 : i32
        %mul3A_59 = arith.muli %add3A_57, %mul3A_58 : i32
        %multiple_of3A_60 = tpu.assume_multiple %mul3A_59, 128 : i32
        %dma_start3A_61 = arith.constant 2 : i32
        %dma_start3A_62 = arith.constant 0 : i32
        %dma_start3A_63 = arith.constant 0 : i32
        %dma_start3A_64 = tpu.memref_slice %arg5[%dma_start3A_61, %dma_start3A_62, %dma_start3A_63] : memref<16x8x128xf32, #tpu.memory_space<vmem>> -> memref<1x8x128xf32, #tpu.memory_space<vmem>>
        %dma_start3A_65 = tpu.memref_squeeze %dma_start3A_64 : memref<1x8x128xf32, #tpu.memory_space<vmem>> -> memref<8x128xf32, #tpu.memory_space<vmem>>
        %dma_start3A_66 = arith.constant 0 : i32
        %dma_start3A_67 = tpu.memref_slice %arg2[%dma_start3A_66, %multiple_of3A_60] : memref<32x1000000xf32, #tpu.memory_space<hbm>> -> memref<8x128xf32, #tpu.memory_space<hbm>>
        %dma_start3A_68 = arith.constant 0 : i32
        %dma_start3A_69 = arith.constant 0 : i32
        %dma_start3A_70 = tpu.memref_slice %arg5[%dma_start3A_61, %dma_start3A_68, %dma_start3A_69] : memref<16x8x128xf32, #tpu.memory_space<vmem>> -> memref<1x8x128xf32, #tpu.memory_space<vmem>>
        %dma_start3A_71 = tpu.memref_squeeze %dma_start3A_70 : memref<1x8x128xf32, #tpu.memory_space<vmem>> -> memref<8x128xf32, #tpu.memory_space<vmem>>
        %dma_start3A_72 = arith.constant 0 : i32
        %dma_start3A_73 = tpu.memref_slice %arg2[%dma_start3A_72, %multiple_of3A_60] : memref<32x1000000xf32, #tpu.memory_space<hbm>> -> memref<8x128xf32, #tpu.memory_space<hbm>>
        tpu.enqueue_dma source(%dma_start3A_73 : memref<8x128xf32, #tpu.memory_space<hbm>>) target(%dma_start3A_71 : memref<8x128xf32, #tpu.memory_space<vmem>>) target_semaphore(%arg7 : memref<!tpu.dma_semaphore, #tpu.memory_space<semaphore_mem>>)
        %mul3A_74 = arith.constant 4 : i32
        %mul3A_75 = arith.muli %add3A_11, %mul3A_74 : i32
        %add3A_76 = arith.constant 3 : i32
        %add3A_77 = arith.addi %mul3A_75, %add3A_76 : i32
        %mul3A_78 = arith.constant 128 : i32
        %mul3A_79 = arith.muli %add3A_77, %mul3A_78 : i32
        %multiple_of3A_80 = tpu.assume_multiple %mul3A_79, 128 : i32
        %dma_start3A_81 = arith.constant 3 : i32
        %dma_start3A_82 = arith.constant 0 : i32
        %dma_start3A_83 = arith.constant 0 : i32
        %dma_start3A_84 = tpu.memref_slice %arg5[%dma_start3A_81, %dma_start3A_82, %dma_start3A_83] : memref<16x8x128xf32, #tpu.memory_space<vmem>> -> memref<1x8x128xf32, #tpu.memory_space<vmem>>
        %dma_start3A_85 = tpu.memref_squeeze %dma_start3A_84 : memref<1x8x128xf32, #tpu.memory_space<vmem>> -> memref<8x128xf32, #tpu.memory_space<vmem>>
        %dma_start3A_86 = arith.constant 0 : i32
        %dma_start3A_87 = tpu.memref_slice %arg2[%dma_start3A_86, %multiple_of3A_80] : memref<32x1000000xf32, #tpu.memory_space<hbm>> -> memref<8x128xf32, #tpu.memory_space<hbm>>
        %dma_start3A_88 = arith.constant 0 : i32
        %dma_start3A_89 = arith.constant 0 : i32
        %dma_start3A_90 = tpu.memref_slice %arg5[%dma_start3A_81, %dma_start3A_88, %dma_start3A_89] : memref<16x8x128xf32, #tpu.memory_space<vmem>> -> memref<1x8x128xf32, #tpu.memory_space<vmem>>
        %dma_start3A_91 = tpu.memref_squeeze %dma_start3A_90 : memref<1x8x128xf32, #tpu.memory_space<vmem>> -> memref<8x128xf32, #tpu.memory_space<vmem>>
        %dma_start3A_92 = arith.constant 0 : i32
        %dma_start3A_93 = tpu.memref_slice %arg2[%dma_start3A_92, %multiple_of3A_80] : memref<32x1000000xf32, #tpu.memory_space<hbm>> -> memref<8x128xf32, #tpu.memory_space<hbm>>
        tpu.enqueue_dma source(%dma_start3A_93 : memref<8x128xf32, #tpu.memory_space<hbm>>) target(%dma_start3A_91 : memref<8x128xf32, #tpu.memory_space<vmem>>) target_semaphore(%arg7 : memref<!tpu.dma_semaphore, #tpu.memory_space<semaphore_mem>>)
        %mul3A_94 = arith.constant 4 : i32
        %mul3A_95 = arith.muli %add3A_11, %mul3A_94 : i32
        %add3A_96 = arith.constant 0 : i32
        %add3A_97 = arith.addi %mul3A_95, %add3A_96 : i32
        %mul3A_98 = arith.constant 128 : i32
        %mul3A_99 = arith.muli %add3A_97, %mul3A_98 : i32
        %multiple_of3A_100 = tpu.assume_multiple %mul3A_99, 128 : i32
        %dma_start3A_101 = arith.constant 4 : i32
        %dma_start3A_102 = arith.constant 0 : i32
        %dma_start3A_103 = arith.constant 0 : i32
        %dma_start3A_104 = tpu.memref_slice %arg5[%dma_start3A_101, %dma_start3A_102, %dma_start3A_103] : memref<16x8x128xf32, #tpu.memory_space<vmem>> -> memref<1x8x128xf32, #tpu.memory_space<vmem>>
        %dma_start3A_105 = tpu.memref_squeeze %dma_start3A_104 : memref<1x8x128xf32, #tpu.memory_space<vmem>> -> memref<8x128xf32, #tpu.memory_space<vmem>>
        %dma_start3A_106 = arith.constant 8 : i32
        %dma_start3A_107 = tpu.memref_slice %arg2[%dma_start3A_106, %multiple_of3A_100] : memref<32x1000000xf32, #tpu.memory_space<hbm>> -> memref<8x128xf32, #tpu.memory_space<hbm>>
        %dma_start3A_108 = arith.constant 0 : i32
        %dma_start3A_109 = arith.constant 0 : i32
        %dma_start3A_110 = tpu.memref_slice %arg5[%dma_start3A_101, %dma_start3A_108, %dma_start3A_109] : memref<16x8x128xf32, #tpu.memory_space<vmem>> -> memref<1x8x128xf32, #tpu.memory_space<vmem>>
        %dma_start3A_111 = tpu.memref_squeeze %dma_start3A_110 : memref<1x8x128xf32, #tpu.memory_space<vmem>> -> memref<8x128xf32, #tpu.memory_space<vmem>>
        %dma_start3A_112 = arith.constant 8 : i32
        %dma_start3A_113 = tpu.memref_slice %arg2[%dma_start3A_112, %multiple_of3A_100] : memref<32x1000000xf32, #tpu.memory_space<hbm>> -> memref<8x128xf32, #tpu.memory_space<hbm>>
        tpu.enqueue_dma source(%dma_start3A_113 : memref<8x128xf32, #tpu.memory_space<hbm>>) target(%dma_start3A_111 : memref<8x128xf32, #tpu.memory_space<vmem>>) target_semaphore(%arg7 : memref<!tpu.dma_semaphore, #tpu.memory_space<semaphore_mem>>)
        %mul3A_114 = arith.constant 4 : i32
        %mul3A_115 = arith.muli %add3A_11, %mul3A_114 : i32
        %add3A_116 = arith.constant 1 : i32
        %add3A_117 = arith.addi %mul3A_115, %add3A_116 : i32
        %mul3A_118 = arith.constant 128 : i32
        %mul3A_119 = arith.muli %add3A_117, %mul3A_118 : i32
        %multiple_of3A_120 = tpu.assume_multiple %mul3A_119, 128 : i32
        %dma_start3A_121 = arith.constant 5 : i32
        %dma_start3A_122 = arith.constant 0 : i32
        %dma_start3A_123 = arith.constant 0 : i32
        %dma_start3A_124 = tpu.memref_slice %arg5[%dma_start3A_121, %dma_start3A_122, %dma_start3A_123] : memref<16x8x128xf32, #tpu.memory_space<vmem>> -> memref<1x8x128xf32, #tpu.memory_space<vmem>>
        %dma_start3A_125 = tpu.memref_squeeze %dma_start3A_124 : memref<1x8x128xf32, #tpu.memory_space<vmem>> -> memref<8x128xf32, #tpu.memory_space<vmem>>
        %dma_start3A_126 = arith.constant 8 : i32
        %dma_start3A_127 = tpu.memref_slice %arg2[%dma_start3A_126, %multiple_of3A_120] : memref<32x1000000xf32, #tpu.memory_space<hbm>> -> memref<8x128xf32, #tpu.memory_space<hbm>>
        %dma_start3A_128 = arith.constant 0 : i32
        %dma_start3A_129 = arith.constant 0 : i32
        %dma_start3A_130 = tpu.memref_slice %arg5[%dma_start3A_121, %dma_start3A_128, %dma_start3A_129] : memref<16x8x128xf32, #tpu.memory_space<vmem>> -> memref<1x8x128xf32, #tpu.memory_space<vmem>>
        %dma_start3A_131 = tpu.memref_squeeze %dma_start3A_130 : memref<1x8x128xf32, #tpu.memory_space<vmem>> -> memref<8x128xf32, #tpu.memory_space<vmem>>
        %dma_start3A_132 = arith.constant 8 : i32
        %dma_start3A_133 = tpu.memref_slice %arg2[%dma_start3A_132, %multiple_of3A_120] : memref<32x1000000xf32, #tpu.memory_space<hbm>> -> memref<8x128xf32, #tpu.memory_space<hbm>>
        tpu.enqueue_dma source(%dma_start3A_133 : memref<8x128xf32, #tpu.memory_space<hbm>>) target(%dma_start3A_131 : memref<8x128xf32, #tpu.memory_space<vmem>>) target_semaphore(%arg7 : memref<!tpu.dma_semaphore, #tpu.memory_space<semaphore_mem>>)
        %mul3A_134 = arith.constant 4 : i32
        %mul3A_135 = arith.muli %add3A_11, %mul3A_134 : i32
        %add3A_136 = arith.constant 2 : i32
        %add3A_137 = arith.addi %mul3A_135, %add3A_136 : i32
        %mul3A_138 = arith.constant 128 : i32
        %mul3A_139 = arith.muli %add3A_137, %mul3A_138 : i32
        %multiple_of3A_140 = tpu.assume_multiple %mul3A_139, 128 : i32
        %dma_start3A_141 = arith.constant 6 : i32
        %dma_start3A_142 = arith.constant 0 : i32
        %dma_start3A_143 = arith.constant 0 : i32
        %dma_start3A_144 = tpu.memref_slice %arg5[%dma_start3A_141, %dma_start3A_142, %dma_start3A_143] : memref<16x8x128xf32, #tpu.memory_space<vmem>> -> memref<1x8x128xf32, #tpu.memory_space<vmem>>
        %dma_start3A_145 = tpu.memref_squeeze %dma_start3A_144 : memref<1x8x128xf32, #tpu.memory_space<vmem>> -> memref<8x128xf32, #tpu.memory_space<vmem>>
        %dma_start3A_146 = arith.constant 8 : i32
        %dma_start3A_147 = tpu.memref_slice %arg2[%dma_start3A_146, %multiple_of3A_140] : memref<32x1000000xf32, #tpu.memory_space<hbm>> -> memref<8x128xf32, #tpu.memory_space<hbm>>
        %dma_start3A_148 = arith.constant 0 : i32
        %dma_start3A_149 = arith.constant 0 : i32
        %dma_start3A_150 = tpu.memref_slice %arg5[%dma_start3A_141, %dma_start3A_148, %dma_start3A_149] : memref<16x8x128xf32, #tpu.memory_space<vmem>> -> memref<1x8x128xf32, #tpu.memory_space<vmem>>
        %dma_start3A_151 = tpu.memref_squeeze %dma_start3A_150 : memref<1x8x128xf32, #tpu.memory_space<vmem>> -> memref<8x128xf32, #tpu.memory_space<vmem>>
        %dma_start3A_152 = arith.constant 8 : i32
        %dma_start3A_153 = tpu.memref_slice %arg2[%dma_start3A_152, %multiple_of3A_140] : memref<32x1000000xf32, #tpu.memory_space<hbm>> -> memref<8x128xf32, #tpu.memory_space<hbm>>
        tpu.enqueue_dma source(%dma_start3A_153 : memref<8x128xf32, #tpu.memory_space<hbm>>) target(%dma_start3A_151 : memref<8x128xf32, #tpu.memory_space<vmem>>) target_semaphore(%arg7 : memref<!tpu.dma_semaphore, #tpu.memory_space<semaphore_mem>>)
        %mul3A_154 = arith.constant 4 : i32
        %mul3A_155 = arith.muli %add3A_11, %mul3A_154 : i32
        %add3A_156 = arith.constant 3 : i32
        %add3A_157 = arith.addi %mul3A_155, %add3A_156 : i32
        %mul3A_158 = arith.constant 128 : i32
        %mul3A_159 = arith.muli %add3A_157, %mul3A_158 : i32
        %multiple_of3A_160 = tpu.assume_multiple %mul3A_159, 128 : i32
        %dma_start3A_161 = arith.constant 7 : i32
        %dma_start3A_162 = arith.constant 0 : i32
        %dma_start3A_163 = arith.constant 0 : i32
        %dma_start3A_164 = tpu.memref_slice %arg5[%dma_start3A_161, %dma_start3A_162, %dma_start3A_163] : memref<16x8x128xf32, #tpu.memory_space<vmem>> -> memref<1x8x128xf32, #tpu.memory_space<vmem>>
        %dma_start3A_165 = tpu.memref_squeeze %dma_start3A_164 : memref<1x8x128xf32, #tpu.memory_space<vmem>> -> memref<8x128xf32, #tpu.memory_space<vmem>>
        %dma_start3A_166 = arith.constant 8 : i32
        %dma_start3A_167 = tpu.memref_slice %arg2[%dma_start3A_166, %multiple_of3A_160] : memref<32x1000000xf32, #tpu.memory_space<hbm>> -> memref<8x128xf32, #tpu.memory_space<hbm>>
        %dma_start3A_168 = arith.constant 0 : i32
        %dma_start3A_169 = arith.constant 0 : i32
        %dma_start3A_170 = tpu.memref_slice %arg5[%dma_start3A_161, %dma_start3A_168, %dma_start3A_169] : memref<16x8x128xf32, #tpu.memory_space<vmem>> -> memref<1x8x128xf32, #tpu.memory_space<vmem>>
        %dma_start3A_171 = tpu.memref_squeeze %dma_start3A_170 : memref<1x8x128xf32, #tpu.memory_space<vmem>> -> memref<8x128xf32, #tpu.memory_space<vmem>>
        %dma_start3A_172 = arith.constant 8 : i32
        %dma_start3A_173 = tpu.memref_slice %arg2[%dma_start3A_172, %multiple_of3A_160] : memref<32x1000000xf32, #tpu.memory_space<hbm>> -> memref<8x128xf32, #tpu.memory_space<hbm>>
        tpu.enqueue_dma source(%dma_start3A_173 : memref<8x128xf32, #tpu.memory_space<hbm>>) target(%dma_start3A_171 : memref<8x128xf32, #tpu.memory_space<vmem>>) target_semaphore(%arg7 : memref<!tpu.dma_semaphore, #tpu.memory_space<semaphore_mem>>)
        %mul3A_174 = arith.constant 4 : i32
        %mul3A_175 = arith.muli %add3A_11, %mul3A_174 : i32
        %add3A_176 = arith.constant 0 : i32
        %add3A_177 = arith.addi %mul3A_175, %add3A_176 : i32
        %mul3A_178 = arith.constant 128 : i32
        %mul3A_179 = arith.muli %add3A_177, %mul3A_178 : i32
        %multiple_of3A_180 = tpu.assume_multiple %mul3A_179, 128 : i32
        %dma_start3A_181 = arith.constant 8 : i32
        %dma_start3A_182 = arith.constant 0 : i32
        %dma_start3A_183 = arith.constant 0 : i32
        %dma_start3A_184 = tpu.memref_slice %arg5[%dma_start3A_181, %dma_start3A_182, %dma_start3A_183] : memref<16x8x128xf32, #tpu.memory_space<vmem>> -> memref<1x8x128xf32, #tpu.memory_space<vmem>>
        %dma_start3A_185 = tpu.memref_squeeze %dma_start3A_184 : memref<1x8x128xf32, #tpu.memory_space<vmem>> -> memref<8x128xf32, #tpu.memory_space<vmem>>
        %dma_start3A_186 = arith.constant 16 : i32
        %dma_start3A_187 = tpu.memref_slice %arg2[%dma_start3A_186, %multiple_of3A_180] : memref<32x1000000xf32, #tpu.memory_space<hbm>> -> memref<8x128xf32, #tpu.memory_space<hbm>>
        %dma_start3A_188 = arith.constant 0 : i32
        %dma_start3A_189 = arith.constant 0 : i32
        %dma_start3A_190 = tpu.memref_slice %arg5[%dma_start3A_181, %dma_start3A_188, %dma_start3A_189] : memref<16x8x128xf32, #tpu.memory_space<vmem>> -> memref<1x8x128xf32, #tpu.memory_space<vmem>>
        %dma_start3A_191 = tpu.memref_squeeze %dma_start3A_190 : memref<1x8x128xf32, #tpu.memory_space<vmem>> -> memref<8x128xf32, #tpu.memory_space<vmem>>
        %dma_start3A_192 = arith.constant 16 : i32
        %dma_start3A_193 = tpu.memref_slice %arg2[%dma_start3A_192, %multiple_of3A_180] : memref<32x1000000xf32, #tpu.memory_space<hbm>> -> memref<8x128xf32, #tpu.memory_space<hbm>>
        tpu.enqueue_dma source(%dma_start3A_193 : memref<8x128xf32, #tpu.memory_space<hbm>>) target(%dma_start3A_191 : memref<8x128xf32, #tpu.memory_space<vmem>>) target_semaphore(%arg7 : memref<!tpu.dma_semaphore, #tpu.memory_space<semaphore_mem>>)
        %mul3A_194 = arith.constant 4 : i32
        %mul3A_195 = arith.muli %add3A_11, %mul3A_194 : i32
        %add3A_196 = arith.constant 1 : i32
        %add3A_197 = arith.addi %mul3A_195, %add3A_196 : i32
        %mul3A_198 = arith.constant 128 : i32
        %mul3A_199 = arith.muli %add3A_197, %mul3A_198 : i32
        %multiple_of3A_200 = tpu.assume_multiple %mul3A_199, 128 : i32
        %dma_start3A_201 = arith.constant 9 : i32
        %dma_start3A_202 = arith.constant 0 : i32
        %dma_start3A_203 = arith.constant 0 : i32
        %dma_start3A_204 = tpu.memref_slice %arg5[%dma_start3A_201, %dma_start3A_202, %dma_start3A_203] : memref<16x8x128xf32, #tpu.memory_space<vmem>> -> memref<1x8x128xf32, #tpu.memory_space<vmem>>
        %dma_start3A_205 = tpu.memref_squeeze %dma_start3A_204 : memref<1x8x128xf32, #tpu.memory_space<vmem>> -> memref<8x128xf32, #tpu.memory_space<vmem>>
        %dma_start3A_206 = arith.constant 16 : i32
        %dma_start3A_207 = tpu.memref_slice %arg2[%dma_start3A_206, %multiple_of3A_200] : memref<32x1000000xf32, #tpu.memory_space<hbm>> -> memref<8x128xf32, #tpu.memory_space<hbm>>
        %dma_start3A_208 = arith.constant 0 : i32
        %dma_start3A_209 = arith.constant 0 : i32
        %dma_start3A_210 = tpu.memref_slice %arg5[%dma_start3A_201, %dma_start3A_208, %dma_start3A_209] : memref<16x8x128xf32, #tpu.memory_space<vmem>> -> memref<1x8x128xf32, #tpu.memory_space<vmem>>
        %dma_start3A_211 = tpu.memref_squeeze %dma_start3A_210 : memref<1x8x128xf32, #tpu.memory_space<vmem>> -> memref<8x128xf32, #tpu.memory_space<vmem>>
        %dma_start3A_212 = arith.constant 16 : i32
        %dma_start3A_213 = tpu.memref_slice %arg2[%dma_start3A_212, %multiple_of3A_200] : memref<32x1000000xf32, #tpu.memory_space<hbm>> -> memref<8x128xf32, #tpu.memory_space<hbm>>
        tpu.enqueue_dma source(%dma_start3A_213 : memref<8x128xf32, #tpu.memory_space<hbm>>) target(%dma_start3A_211 : memref<8x128xf32, #tpu.memory_space<vmem>>) target_semaphore(%arg7 : memref<!tpu.dma_semaphore, #tpu.memory_space<semaphore_mem>>)
        %mul3A_214 = arith.constant 4 : i32
        %mul3A_215 = arith.muli %add3A_11, %mul3A_214 : i32
        %add3A_216 = arith.constant 2 : i32
        %add3A_217 = arith.addi %mul3A_215, %add3A_216 : i32
        %mul3A_218 = arith.constant 128 : i32
        %mul3A_219 = arith.muli %add3A_217, %mul3A_218 : i32
        %multiple_of3A_220 = tpu.assume_multiple %mul3A_219, 128 : i32
        %dma_start3A_221 = arith.constant 10 : i32
        %dma_start3A_222 = arith.constant 0 : i32
        %dma_start3A_223 = arith.constant 0 : i32
        %dma_start3A_224 = tpu.memref_slice %arg5[%dma_start3A_221, %dma_start3A_222, %dma_start3A_223] : memref<16x8x128xf32, #tpu.memory_space<vmem>> -> memref<1x8x128xf32, #tpu.memory_space<vmem>>
        %dma_start3A_225 = tpu.memref_squeeze %dma_start3A_224 : memref<1x8x128xf32, #tpu.memory_space<vmem>> -> memref<8x128xf32, #tpu.memory_space<vmem>>
        %dma_start3A_226 = arith.constant 16 : i32
        %dma_start3A_227 = tpu.memref_slice %arg2[%dma_start3A_226, %multiple_of3A_220] : memref<32x1000000xf32, #tpu.memory_space<hbm>> -> memref<8x128xf32, #tpu.memory_space<hbm>>
        %dma_start3A_228 = arith.constant 0 : i32
        %dma_start3A_229 = arith.constant 0 : i32
        %dma_start3A_230 = tpu.memref_slice %arg5[%dma_start3A_221, %dma_start3A_228, %dma_start3A_229] : memref<16x8x128xf32, #tpu.memory_space<vmem>> -> memref<1x8x128xf32, #tpu.memory_space<vmem>>
        %dma_start3A_231 = tpu.memref_squeeze %dma_start3A_230 : memref<1x8x128xf32, #tpu.memory_space<vmem>> -> memref<8x128xf32, #tpu.memory_space<vmem>>
        %dma_start3A_232 = arith.constant 16 : i32
        %dma_start3A_233 = tpu.memref_slice %arg2[%dma_start3A_232, %multiple_of3A_220] : memref<32x1000000xf32, #tpu.memory_space<hbm>> -> memref<8x128xf32, #tpu.memory_space<hbm>>
        tpu.enqueue_dma source(%dma_start3A_233 : memref<8x128xf32, #tpu.memory_space<hbm>>) target(%dma_start3A_231 : memref<8x128xf32, #tpu.memory_space<vmem>>) target_semaphore(%arg7 : memref<!tpu.dma_semaphore, #tpu.memory_space<semaphore_mem>>)
        %mul3A_234 = arith.constant 4 : i32
        %mul3A_235 = arith.muli %add3A_11, %mul3A_234 : i32
        %add3A_236 = arith.constant 3 : i32
        %add3A_237 = arith.addi %mul3A_235, %add3A_236 : i32
        %mul3A_238 = arith.constant 128 : i32
        %mul3A_239 = arith.muli %add3A_237, %mul3A_238 : i32
        %multiple_of3A_240 = tpu.assume_multiple %mul3A_239, 128 : i32
        %dma_start3A_241 = arith.constant 11 : i32
        %dma_start3A_242 = arith.constant 0 : i32
        %dma_start3A_243 = arith.constant 0 : i32
        %dma_start3A_244 = tpu.memref_slice %arg5[%dma_start3A_241, %dma_start3A_242, %dma_start3A_243] : memref<16x8x128xf32, #tpu.memory_space<vmem>> -> memref<1x8x128xf32, #tpu.memory_space<vmem>>
        %dma_start3A_245 = tpu.memref_squeeze %dma_start3A_244 : memref<1x8x128xf32, #tpu.memory_space<vmem>> -> memref<8x128xf32, #tpu.memory_space<vmem>>
        %dma_start3A_246 = arith.constant 16 : i32
        %dma_start3A_247 = tpu.memref_slice %arg2[%dma_start3A_246, %multiple_of3A_240] : memref<32x1000000xf32, #tpu.memory_space<hbm>> -> memref<8x128xf32, #tpu.memory_space<hbm>>
        %dma_start3A_248 = arith.constant 0 : i32
        %dma_start3A_249 = arith.constant 0 : i32
        %dma_start3A_250 = tpu.memref_slice %arg5[%dma_start3A_241, %dma_start3A_248, %dma_start3A_249] : memref<16x8x128xf32, #tpu.memory_space<vmem>> -> memref<1x8x128xf32, #tpu.memory_space<vmem>>
        %dma_start3A_251 = tpu.memref_squeeze %dma_start3A_250 : memref<1x8x128xf32, #tpu.memory_space<vmem>> -> memref<8x128xf32, #tpu.memory_space<vmem>>
        %dma_start3A_252 = arith.constant 16 : i32
        %dma_start3A_253 = tpu.memref_slice %arg2[%dma_start3A_252, %multiple_of3A_240] : memref<32x1000000xf32, #tpu.memory_space<hbm>> -> memref<8x128xf32, #tpu.memory_space<hbm>>
        tpu.enqueue_dma source(%dma_start3A_253 : memref<8x128xf32, #tpu.memory_space<hbm>>) target(%dma_start3A_251 : memref<8x128xf32, #tpu.memory_space<vmem>>) target_semaphore(%arg7 : memref<!tpu.dma_semaphore, #tpu.memory_space<semaphore_mem>>)
        %mul3A_254 = arith.constant 4 : i32
        %mul3A_255 = arith.muli %add3A_11, %mul3A_254 : i32
        %add3A_256 = arith.constant 0 : i32
        %add3A_257 = arith.addi %mul3A_255, %add3A_256 : i32
        %mul3A_258 = arith.constant 128 : i32
        %mul3A_259 = arith.muli %add3A_257, %mul3A_258 : i32
        %multiple_of3A_260 = tpu.assume_multiple %mul3A_259, 128 : i32
        %dma_start3A_261 = arith.constant 12 : i32
        %dma_start3A_262 = arith.constant 0 : i32
        %dma_start3A_263 = arith.constant 0 : i32
        %dma_start3A_264 = tpu.memref_slice %arg5[%dma_start3A_261, %dma_start3A_262, %dma_start3A_263] : memref<16x8x128xf32, #tpu.memory_space<vmem>> -> memref<1x8x128xf32, #tpu.memory_space<vmem>>
        %dma_start3A_265 = tpu.memref_squeeze %dma_start3A_264 : memref<1x8x128xf32, #tpu.memory_space<vmem>> -> memref<8x128xf32, #tpu.memory_space<vmem>>
        %dma_start3A_266 = arith.constant 24 : i32
        %dma_start3A_267 = tpu.memref_slice %arg2[%dma_start3A_266, %multiple_of3A_260] : memref<32x1000000xf32, #tpu.memory_space<hbm>> -> memref<8x128xf32, #tpu.memory_space<hbm>>
        %dma_start3A_268 = arith.constant 0 : i32
        %dma_start3A_269 = arith.constant 0 : i32
        %dma_start3A_270 = tpu.memref_slice %arg5[%dma_start3A_261, %dma_start3A_268, %dma_start3A_269] : memref<16x8x128xf32, #tpu.memory_space<vmem>> -> memref<1x8x128xf32, #tpu.memory_space<vmem>>
        %dma_start3A_271 = tpu.memref_squeeze %dma_start3A_270 : memref<1x8x128xf32, #tpu.memory_space<vmem>> -> memref<8x128xf32, #tpu.memory_space<vmem>>
        %dma_start3A_272 = arith.constant 24 : i32
        %dma_start3A_273 = tpu.memref_slice %arg2[%dma_start3A_272, %multiple_of3A_260] : memref<32x1000000xf32, #tpu.memory_space<hbm>> -> memref<8x128xf32, #tpu.memory_space<hbm>>
        tpu.enqueue_dma source(%dma_start3A_273 : memref<8x128xf32, #tpu.memory_space<hbm>>) target(%dma_start3A_271 : memref<8x128xf32, #tpu.memory_space<vmem>>) target_semaphore(%arg7 : memref<!tpu.dma_semaphore, #tpu.memory_space<semaphore_mem>>)
        %mul3A_274 = arith.constant 4 : i32
        %mul3A_275 = arith.muli %add3A_11, %mul3A_274 : i32
        %add3A_276 = arith.constant 1 : i32
        %add3A_277 = arith.addi %mul3A_275, %add3A_276 : i32
        %mul3A_278 = arith.constant 128 : i32
        %mul3A_279 = arith.muli %add3A_277, %mul3A_278 : i32
        %multiple_of3A_280 = tpu.assume_multiple %mul3A_279, 128 : i32
        %dma_start3A_281 = arith.constant 13 : i32
        %dma_start3A_282 = arith.constant 0 : i32
        %dma_start3A_283 = arith.constant 0 : i32
        %dma_start3A_284 = tpu.memref_slice %arg5[%dma_start3A_281, %dma_start3A_282, %dma_start3A_283] : memref<16x8x128xf32, #tpu.memory_space<vmem>> -> memref<1x8x128xf32, #tpu.memory_space<vmem>>
        %dma_start3A_285 = tpu.memref_squeeze %dma_start3A_284 : memref<1x8x128xf32, #tpu.memory_space<vmem>> -> memref<8x128xf32, #tpu.memory_space<vmem>>
        %dma_start3A_286 = arith.constant 24 : i32
        %dma_start3A_287 = tpu.memref_slice %arg2[%dma_start3A_286, %multiple_of3A_280] : memref<32x1000000xf32, #tpu.memory_space<hbm>> -> memref<8x128xf32, #tpu.memory_space<hbm>>
        %dma_start3A_288 = arith.constant 0 : i32
        %dma_start3A_289 = arith.constant 0 : i32
        %dma_start3A_290 = tpu.memref_slice %arg5[%dma_start3A_281, %dma_start3A_288, %dma_start3A_289] : memref<16x8x128xf32, #tpu.memory_space<vmem>> -> memref<1x8x128xf32, #tpu.memory_space<vmem>>
        %dma_start3A_291 = tpu.memref_squeeze %dma_start3A_290 : memref<1x8x128xf32, #tpu.memory_space<vmem>> -> memref<8x128xf32, #tpu.memory_space<vmem>>
        %dma_start3A_292 = arith.constant 24 : i32
        %dma_start3A_293 = tpu.memref_slice %arg2[%dma_start3A_292, %multiple_of3A_280] : memref<32x1000000xf32, #tpu.memory_space<hbm>> -> memref<8x128xf32, #tpu.memory_space<hbm>>
        tpu.enqueue_dma source(%dma_start3A_293 : memref<8x128xf32, #tpu.memory_space<hbm>>) target(%dma_start3A_291 : memref<8x128xf32, #tpu.memory_space<vmem>>) target_semaphore(%arg7 : memref<!tpu.dma_semaphore, #tpu.memory_space<semaphore_mem>>)
        %mul3A_294 = arith.constant 4 : i32
        %mul3A_295 = arith.muli %add3A_11, %mul3A_294 : i32
        %add3A_296 = arith.constant 2 : i32
        %add3A_297 = arith.addi %mul3A_295, %add3A_296 : i32
        %mul3A_298 = arith.constant 128 : i32
        %mul3A_299 = arith.muli %add3A_297, %mul3A_298 : i32
        %multiple_of3A_300 = tpu.assume_multiple %mul3A_299, 128 : i32
        %dma_start3A_301 = arith.constant 14 : i32
        %dma_start3A_302 = arith.constant 0 : i32
        %dma_start3A_303 = arith.constant 0 : i32
        %dma_start3A_304 = tpu.memref_slice %arg5[%dma_start3A_301, %dma_start3A_302, %dma_start3A_303] : memref<16x8x128xf32, #tpu.memory_space<vmem>> -> memref<1x8x128xf32, #tpu.memory_space<vmem>>
        %dma_start3A_305 = tpu.memref_squeeze %dma_start3A_304 : memref<1x8x128xf32, #tpu.memory_space<vmem>> -> memref<8x128xf32, #tpu.memory_space<vmem>>
        %dma_start3A_306 = arith.constant 24 : i32
        %dma_start3A_307 = tpu.memref_slice %arg2[%dma_start3A_306, %multiple_of3A_300] : memref<32x1000000xf32, #tpu.memory_space<hbm>> -> memref<8x128xf32, #tpu.memory_space<hbm>>
        %dma_start3A_308 = arith.constant 0 : i32
        %dma_start3A_309 = arith.constant 0 : i32
        %dma_start3A_310 = tpu.memref_slice %arg5[%dma_start3A_301, %dma_start3A_308, %dma_start3A_309] : memref<16x8x128xf32, #tpu.memory_space<vmem>> -> memref<1x8x128xf32, #tpu.memory_space<vmem>>
        %dma_start3A_311 = tpu.memref_squeeze %dma_start3A_310 : memref<1x8x128xf32, #tpu.memory_space<vmem>> -> memref<8x128xf32, #tpu.memory_space<vmem>>
        %dma_start3A_312 = arith.constant 24 : i32
        %dma_start3A_313 = tpu.memref_slice %arg2[%dma_start3A_312, %multiple_of3A_300] : memref<32x1000000xf32, #tpu.memory_space<hbm>> -> memref<8x128xf32, #tpu.memory_space<hbm>>
        tpu.enqueue_dma source(%dma_start3A_313 : memref<8x128xf32, #tpu.memory_space<hbm>>) target(%dma_start3A_311 : memref<8x128xf32, #tpu.memory_space<vmem>>) target_semaphore(%arg7 : memref<!tpu.dma_semaphore, #tpu.memory_space<semaphore_mem>>)
        %mul3A_314 = arith.constant 4 : i32
        %mul3A_315 = arith.muli %add3A_11, %mul3A_314 : i32
        %add3A_316 = arith.constant 3 : i32
        %add3A_317 = arith.addi %mul3A_315, %add3A_316 : i32
        %mul3A_318 = arith.constant 128 : i32
        %mul3A_319 = arith.muli %add3A_317, %mul3A_318 : i32
        %multiple_of3A_320 = tpu.assume_multiple %mul3A_319, 128 : i32
        %dma_start3A_321 = arith.constant 15 : i32
        %dma_start3A_322 = arith.constant 0 : i32
        %dma_start3A_323 = arith.constant 0 : i32
        %dma_start3A_324 = tpu.memref_slice %arg5[%dma_start3A_321, %dma_start3A_322, %dma_start3A_323] : memref<16x8x128xf32, #tpu.memory_space<vmem>> -> memref<1x8x128xf32, #tpu.memory_space<vmem>>
        %dma_start3A_325 = tpu.memref_squeeze %dma_start3A_324 : memref<1x8x128xf32, #tpu.memory_space<vmem>> -> memref<8x128xf32, #tpu.memory_space<vmem>>
        %dma_start3A_326 = arith.constant 24 : i32
        %dma_start3A_327 = tpu.memref_slice %arg2[%dma_start3A_326, %multiple_of3A_320] : memref<32x1000000xf32, #tpu.memory_space<hbm>> -> memref<8x128xf32, #tpu.memory_space<hbm>>
        %dma_start3A_328 = arith.constant 0 : i32
        %dma_start3A_329 = arith.constant 0 : i32
        %dma_start3A_330 = tpu.memref_slice %arg5[%dma_start3A_321, %dma_start3A_328, %dma_start3A_329] : memref<16x8x128xf32, #tpu.memory_space<vmem>> -> memref<1x8x128xf32, #tpu.memory_space<vmem>>
        %dma_start3A_331 = tpu.memref_squeeze %dma_start3A_330 : memref<1x8x128xf32, #tpu.memory_space<vmem>> -> memref<8x128xf32, #tpu.memory_space<vmem>>
        %dma_start3A_332 = arith.constant 24 : i32
        %dma_start3A_333 = tpu.memref_slice %arg2[%dma_start3A_332, %multiple_of3A_320] : memref<32x1000000xf32, #tpu.memory_space<hbm>> -> memref<8x128xf32, #tpu.memory_space<hbm>>
        tpu.enqueue_dma source(%dma_start3A_333 : memref<8x128xf32, #tpu.memory_space<hbm>>) target(%dma_start3A_331 : memref<8x128xf32, #tpu.memory_space<vmem>>) target_semaphore(%arg7 : memref<!tpu.dma_semaphore, #tpu.memory_space<semaphore_mem>>)
        %dma_wait3A = arith.constant 0 : i32
        %dma_wait3A_334 = arith.constant 0 : i32
        %dma_wait3A_335 = arith.constant 0 : i32
        %dma_wait3A_336 = tpu.memref_slice %arg5[%dma_wait3A, %dma_wait3A_334, %dma_wait3A_335] : memref<16x8x128xf32, #tpu.memory_space<vmem>> -> memref<1x8x128xf32, #tpu.memory_space<vmem>>
        %dma_wait3A_337 = tpu.memref_squeeze %dma_wait3A_336 : memref<1x8x128xf32, #tpu.memory_space<vmem>> -> memref<8x128xf32, #tpu.memory_space<vmem>>
        %dma_wait3A_338 = arith.constant 0 : i32
        %dma_wait3A_339 = arith.constant 0 : i32
        %dma_wait3A_340 = tpu.memref_slice %arg2[%dma_wait3A_338, %dma_wait3A_339] : memref<32x1000000xf32, #tpu.memory_space<hbm>> -> memref<8x128xf32, #tpu.memory_space<hbm>>
        %dma_wait3A_341 = arith.constant 0 : i32
        %dma_wait3A_342 = arith.constant 0 : i32
        %dma_wait3A_343 = tpu.memref_slice %arg5[%dma_wait3A, %dma_wait3A_341, %dma_wait3A_342] : memref<16x8x128xf32, #tpu.memory_space<vmem>> -> memref<1x8x128xf32, #tpu.memory_space<vmem>>
        %dma_wait3A_344 = tpu.memref_squeeze %dma_wait3A_343 : memref<1x8x128xf32, #tpu.memory_space<vmem>> -> memref<8x128xf32, #tpu.memory_space<vmem>>
        %dma_wait3A_345 = arith.constant 0 : i32
        %dma_wait3A_346 = arith.constant 0 : i32
        %dma_wait3A_347 = tpu.memref_slice %arg2[%dma_wait3A_345, %dma_wait3A_346] : memref<32x1000000xf32, #tpu.memory_space<hbm>> -> memref<8x128xf32, #tpu.memory_space<hbm>>
        tpu.wait_dma2 semaphore(%arg7 : memref<!tpu.dma_semaphore, #tpu.memory_space<semaphore_mem>>) src(%dma_wait3A_347 : memref<8x128xf32, #tpu.memory_space<hbm>>) dst(%dma_wait3A_344 : memref<8x128xf32, #tpu.memory_space<vmem>>)
        %dma_wait3A_348 = arith.constant 1 : i32
        %dma_wait3A_349 = arith.constant 0 : i32
        %dma_wait3A_350 = arith.constant 0 : i32
        %dma_wait3A_351 = tpu.memref_slice %arg5[%dma_wait3A_348, %dma_wait3A_349, %dma_wait3A_350] : memref<16x8x128xf32, #tpu.memory_space<vmem>> -> memref<1x8x128xf32, #tpu.memory_space<vmem>>
        %dma_wait3A_352 = tpu.memref_squeeze %dma_wait3A_351 : memref<1x8x128xf32, #tpu.memory_space<vmem>> -> memref<8x128xf32, #tpu.memory_space<vmem>>
        %dma_wait3A_353 = arith.constant 0 : i32
        %dma_wait3A_354 = arith.constant 0 : i32
        %dma_wait3A_355 = tpu.memref_slice %arg2[%dma_wait3A_353, %dma_wait3A_354] : memref<32x1000000xf32, #tpu.memory_space<hbm>> -> memref<8x128xf32, #tpu.memory_space<hbm>>
        %dma_wait3A_356 = arith.constant 0 : i32
        %dma_wait3A_357 = arith.constant 0 : i32
        %dma_wait3A_358 = tpu.memref_slice %arg5[%dma_wait3A_348, %dma_wait3A_356, %dma_wait3A_357] : memref<16x8x128xf32, #tpu.memory_space<vmem>> -> memref<1x8x128xf32, #tpu.memory_space<vmem>>
        %dma_wait3A_359 = tpu.memref_squeeze %dma_wait3A_358 : memref<1x8x128xf32, #tpu.memory_space<vmem>> -> memref<8x128xf32, #tpu.memory_space<vmem>>
        %dma_wait3A_360 = arith.constant 0 : i32
        %dma_wait3A_361 = arith.constant 0 : i32
        %dma_wait3A_362 = tpu.memref_slice %arg2[%dma_wait3A_360, %dma_wait3A_361] : memref<32x1000000xf32, #tpu.memory_space<hbm>> -> memref<8x128xf32, #tpu.memory_space<hbm>>
        tpu.wait_dma2 semaphore(%arg7 : memref<!tpu.dma_semaphore, #tpu.memory_space<semaphore_mem>>) src(%dma_wait3A_362 : memref<8x128xf32, #tpu.memory_space<hbm>>) dst(%dma_wait3A_359 : memref<8x128xf32, #tpu.memory_space<vmem>>)
        %dma_wait3A_363 = arith.constant 2 : i32
        %dma_wait3A_364 = arith.constant 0 : i32
        %dma_wait3A_365 = arith.constant 0 : i32
        %dma_wait3A_366 = tpu.memref_slice %arg5[%dma_wait3A_363, %dma_wait3A_364, %dma_wait3A_365] : memref<16x8x128xf32, #tpu.memory_space<vmem>> -> memref<1x8x128xf32, #tpu.memory_space<vmem>>
        %dma_wait3A_367 = tpu.memref_squeeze %dma_wait3A_366 : memref<1x8x128xf32, #tpu.memory_space<vmem>> -> memref<8x128xf32, #tpu.memory_space<vmem>>
        %dma_wait3A_368 = arith.constant 0 : i32
        %dma_wait3A_369 = arith.constant 0 : i32
        %dma_wait3A_370 = tpu.memref_slice %arg2[%dma_wait3A_368, %dma_wait3A_369] : memref<32x1000000xf32, #tpu.memory_space<hbm>> -> memref<8x128xf32, #tpu.memory_space<hbm>>
        %dma_wait3A_371 = arith.constant 0 : i32
        %dma_wait3A_372 = arith.constant 0 : i32
        %dma_wait3A_373 = tpu.memref_slice %arg5[%dma_wait3A_363, %dma_wait3A_371, %dma_wait3A_372] : memref<16x8x128xf32, #tpu.memory_space<vmem>> -> memref<1x8x128xf32, #tpu.memory_space<vmem>>
        %dma_wait3A_374 = tpu.memref_squeeze %dma_wait3A_373 : memref<1x8x128xf32, #tpu.memory_space<vmem>> -> memref<8x128xf32, #tpu.memory_space<vmem>>
        %dma_wait3A_375 = arith.constant 0 : i32
        %dma_wait3A_376 = arith.constant 0 : i32
        %dma_wait3A_377 = tpu.memref_slice %arg2[%dma_wait3A_375, %dma_wait3A_376] : memref<32x1000000xf32, #tpu.memory_space<hbm>> -> memref<8x128xf32, #tpu.memory_space<hbm>>
        tpu.wait_dma2 semaphore(%arg7 : memref<!tpu.dma_semaphore, #tpu.memory_space<semaphore_mem>>) src(%dma_wait3A_377 : memref<8x128xf32, #tpu.memory_space<hbm>>) dst(%dma_wait3A_374 : memref<8x128xf32, #tpu.memory_space<vmem>>)
        %dma_wait3A_378 = arith.constant 3 : i32
        %dma_wait3A_379 = arith.constant 0 : i32
        %dma_wait3A_380 = arith.constant 0 : i32
        %dma_wait3A_381 = tpu.memref_slice %arg5[%dma_wait3A_378, %dma_wait3A_379, %dma_wait3A_380] : memref<16x8x128xf32, #tpu.memory_space<vmem>> -> memref<1x8x128xf32, #tpu.memory_space<vmem>>
        %dma_wait3A_382 = tpu.memref_squeeze %dma_wait3A_381 : memref<1x8x128xf32, #tpu.memory_space<vmem>> -> memref<8x128xf32, #tpu.memory_space<vmem>>
        %dma_wait3A_383 = arith.constant 0 : i32
        %dma_wait3A_384 = arith.constant 0 : i32
        %dma_wait3A_385 = tpu.memref_slice %arg2[%dma_wait3A_383, %dma_wait3A_384] : memref<32x1000000xf32, #tpu.memory_space<hbm>> -> memref<8x128xf32, #tpu.memory_space<hbm>>
        %dma_wait3A_386 = arith.constant 0 : i32
        %dma_wait3A_387 = arith.constant 0 : i32
        %dma_wait3A_388 = tpu.memref_slice %arg5[%dma_wait3A_378, %dma_wait3A_386, %dma_wait3A_387] : memref<16x8x128xf32, #tpu.memory_space<vmem>> -> memref<1x8x128xf32, #tpu.memory_space<vmem>>
        %dma_wait3A_389 = tpu.memref_squeeze %dma_wait3A_388 : memref<1x8x128xf32, #tpu.memory_space<vmem>> -> memref<8x128xf32, #tpu.memory_space<vmem>>
        %dma_wait3A_390 = arith.constant 0 : i32
        %dma_wait3A_391 = arith.constant 0 : i32
        %dma_wait3A_392 = tpu.memref_slice %arg2[%dma_wait3A_390, %dma_wait3A_391] : memref<32x1000000xf32, #tpu.memory_space<hbm>> -> memref<8x128xf32, #tpu.memory_space<hbm>>
        tpu.wait_dma2 semaphore(%arg7 : memref<!tpu.dma_semaphore, #tpu.memory_space<semaphore_mem>>) src(%dma_wait3A_392 : memref<8x128xf32, #tpu.memory_space<hbm>>) dst(%dma_wait3A_389 : memref<8x128xf32, #tpu.memory_space<vmem>>)
        %dma_wait3A_393 = arith.constant 4 : i32
        %dma_wait3A_394 = arith.constant 0 : i32
        %dma_wait3A_395 = arith.constant 0 : i32
        %dma_wait3A_396 = tpu.memref_slice %arg5[%dma_wait3A_393, %dma_wait3A_394, %dma_wait3A_395] : memref<16x8x128xf32, #tpu.memory_space<vmem>> -> memref<1x8x128xf32, #tpu.memory_space<vmem>>
        %dma_wait3A_397 = tpu.memref_squeeze %dma_wait3A_396 : memref<1x8x128xf32, #tpu.memory_space<vmem>> -> memref<8x128xf32, #tpu.memory_space<vmem>>
        %dma_wait3A_398 = arith.constant 0 : i32
        %dma_wait3A_399 = arith.constant 0 : i32
        %dma_wait3A_400 = tpu.memref_slice %arg2[%dma_wait3A_398, %dma_wait3A_399] : memref<32x1000000xf32, #tpu.memory_space<hbm>> -> memref<8x128xf32, #tpu.memory_space<hbm>>
        %dma_wait3A_401 = arith.constant 0 : i32
        %dma_wait3A_402 = arith.constant 0 : i32
        %dma_wait3A_403 = tpu.memref_slice %arg5[%dma_wait3A_393, %dma_wait3A_401, %dma_wait3A_402] : memref<16x8x128xf32, #tpu.memory_space<vmem>> -> memref<1x8x128xf32, #tpu.memory_space<vmem>>
        %dma_wait3A_404 = tpu.memref_squeeze %dma_wait3A_403 : memref<1x8x128xf32, #tpu.memory_space<vmem>> -> memref<8x128xf32, #tpu.memory_space<vmem>>
        %dma_wait3A_405 = arith.constant 0 : i32
        %dma_wait3A_406 = arith.constant 0 : i32
        %dma_wait3A_407 = tpu.memref_slice %arg2[%dma_wait3A_405, %dma_wait3A_406] : memref<32x1000000xf32, #tpu.memory_space<hbm>> -> memref<8x128xf32, #tpu.memory_space<hbm>>
        tpu.wait_dma2 semaphore(%arg7 : memref<!tpu.dma_semaphore, #tpu.memory_space<semaphore_mem>>) src(%dma_wait3A_407 : memref<8x128xf32, #tpu.memory_space<hbm>>) dst(%dma_wait3A_404 : memref<8x128xf32, #tpu.memory_space<vmem>>)
        %dma_wait3A_408 = arith.constant 5 : i32
        %dma_wait3A_409 = arith.constant 0 : i32
        %dma_wait3A_410 = arith.constant 0 : i32
        %dma_wait3A_411 = tpu.memref_slice %arg5[%dma_wait3A_408, %dma_wait3A_409, %dma_wait3A_410] : memref<16x8x128xf32, #tpu.memory_space<vmem>> -> memref<1x8x128xf32, #tpu.memory_space<vmem>>
        %dma_wait3A_412 = tpu.memref_squeeze %dma_wait3A_411 : memref<1x8x128xf32, #tpu.memory_space<vmem>> -> memref<8x128xf32, #tpu.memory_space<vmem>>
        %dma_wait3A_413 = arith.constant 0 : i32
        %dma_wait3A_414 = arith.constant 0 : i32
        %dma_wait3A_415 = tpu.memref_slice %arg2[%dma_wait3A_413, %dma_wait3A_414] : memref<32x1000000xf32, #tpu.memory_space<hbm>> -> memref<8x128xf32, #tpu.memory_space<hbm>>
        %dma_wait3A_416 = arith.constant 0 : i32
        %dma_wait3A_417 = arith.constant 0 : i32
        %dma_wait3A_418 = tpu.memref_slice %arg5[%dma_wait3A_408, %dma_wait3A_416, %dma_wait3A_417] : memref<16x8x128xf32, #tpu.memory_space<vmem>> -> memref<1x8x128xf32, #tpu.memory_space<vmem>>
        %dma_wait3A_419 = tpu.memref_squeeze %dma_wait3A_418 : memref<1x8x128xf32, #tpu.memory_space<vmem>> -> memref<8x128xf32, #tpu.memory_space<vmem>>
        %dma_wait3A_420 = arith.constant 0 : i32
        %dma_wait3A_421 = arith.constant 0 : i32
        %dma_wait3A_422 = tpu.memref_slice %arg2[%dma_wait3A_420, %dma_wait3A_421] : memref<32x1000000xf32, #tpu.memory_space<hbm>> -> memref<8x128xf32, #tpu.memory_space<hbm>>
        tpu.wait_dma2 semaphore(%arg7 : memref<!tpu.dma_semaphore, #tpu.memory_space<semaphore_mem>>) src(%dma_wait3A_422 : memref<8x128xf32, #tpu.memory_space<hbm>>) dst(%dma_wait3A_419 : memref<8x128xf32, #tpu.memory_space<vmem>>)
        %dma_wait3A_423 = arith.constant 6 : i32
        %dma_wait3A_424 = arith.constant 0 : i32
        %dma_wait3A_425 = arith.constant 0 : i32
        %dma_wait3A_426 = tpu.memref_slice %arg5[%dma_wait3A_423, %dma_wait3A_424, %dma_wait3A_425] : memref<16x8x128xf32, #tpu.memory_space<vmem>> -> memref<1x8x128xf32, #tpu.memory_space<vmem>>
        %dma_wait3A_427 = tpu.memref_squeeze %dma_wait3A_426 : memref<1x8x128xf32, #tpu.memory_space<vmem>> -> memref<8x128xf32, #tpu.memory_space<vmem>>
        %dma_wait3A_428 = arith.constant 0 : i32
        %dma_wait3A_429 = arith.constant 0 : i32
        %dma_wait3A_430 = tpu.memref_slice %arg2[%dma_wait3A_428, %dma_wait3A_429] : memref<32x1000000xf32, #tpu.memory_space<hbm>> -> memref<8x128xf32, #tpu.memory_space<hbm>>
        %dma_wait3A_431 = arith.constant 0 : i32
        %dma_wait3A_432 = arith.constant 0 : i32
        %dma_wait3A_433 = tpu.memref_slice %arg5[%dma_wait3A_423, %dma_wait3A_431, %dma_wait3A_432] : memref<16x8x128xf32, #tpu.memory_space<vmem>> -> memref<1x8x128xf32, #tpu.memory_space<vmem>>
        %dma_wait3A_434 = tpu.memref_squeeze %dma_wait3A_433 : memref<1x8x128xf32, #tpu.memory_space<vmem>> -> memref<8x128xf32, #tpu.memory_space<vmem>>
        %dma_wait3A_435 = arith.constant 0 : i32
        %dma_wait3A_436 = arith.constant 0 : i32
        %dma_wait3A_437 = tpu.memref_slice %arg2[%dma_wait3A_435, %dma_wait3A_436] : memref<32x1000000xf32, #tpu.memory_space<hbm>> -> memref<8x128xf32, #tpu.memory_space<hbm>>
        tpu.wait_dma2 semaphore(%arg7 : memref<!tpu.dma_semaphore, #tpu.memory_space<semaphore_mem>>) src(%dma_wait3A_437 : memref<8x128xf32, #tpu.memory_space<hbm>>) dst(%dma_wait3A_434 : memref<8x128xf32, #tpu.memory_space<vmem>>)
        %dma_wait3A_438 = arith.constant 7 : i32
        %dma_wait3A_439 = arith.constant 0 : i32
        %dma_wait3A_440 = arith.constant 0 : i32
        %dma_wait3A_441 = tpu.memref_slice %arg5[%dma_wait3A_438, %dma_wait3A_439, %dma_wait3A_440] : memref<16x8x128xf32, #tpu.memory_space<vmem>> -> memref<1x8x128xf32, #tpu.memory_space<vmem>>
        %dma_wait3A_442 = tpu.memref_squeeze %dma_wait3A_441 : memref<1x8x128xf32, #tpu.memory_space<vmem>> -> memref<8x128xf32, #tpu.memory_space<vmem>>
        %dma_wait3A_443 = arith.constant 0 : i32
        %dma_wait3A_444 = arith.constant 0 : i32
        %dma_wait3A_445 = tpu.memref_slice %arg2[%dma_wait3A_443, %dma_wait3A_444] : memref<32x1000000xf32, #tpu.memory_space<hbm>> -> memref<8x128xf32, #tpu.memory_space<hbm>>
        %dma_wait3A_446 = arith.constant 0 : i32
        %dma_wait3A_447 = arith.constant 0 : i32
        %dma_wait3A_448 = tpu.memref_slice %arg5[%dma_wait3A_438, %dma_wait3A_446, %dma_wait3A_447] : memref<16x8x128xf32, #tpu.memory_space<vmem>> -> memref<1x8x128xf32, #tpu.memory_space<vmem>>
        %dma_wait3A_449 = tpu.memref_squeeze %dma_wait3A_448 : memref<1x8x128xf32, #tpu.memory_space<vmem>> -> memref<8x128xf32, #tpu.memory_space<vmem>>
        %dma_wait3A_450 = arith.constant 0 : i32
        %dma_wait3A_451 = arith.constant 0 : i32
        %dma_wait3A_452 = tpu.memref_slice %arg2[%dma_wait3A_450, %dma_wait3A_451] : memref<32x1000000xf32, #tpu.memory_space<hbm>> -> memref<8x128xf32, #tpu.memory_space<hbm>>
        tpu.wait_dma2 semaphore(%arg7 : memref<!tpu.dma_semaphore, #tpu.memory_space<semaphore_mem>>) src(%dma_wait3A_452 : memref<8x128xf32, #tpu.memory_space<hbm>>) dst(%dma_wait3A_449 : memref<8x128xf32, #tpu.memory_space<vmem>>)
        %dma_wait3A_453 = arith.constant 8 : i32
        %dma_wait3A_454 = arith.constant 0 : i32
        %dma_wait3A_455 = arith.constant 0 : i32
        %dma_wait3A_456 = tpu.memref_slice %arg5[%dma_wait3A_453, %dma_wait3A_454, %dma_wait3A_455] : memref<16x8x128xf32, #tpu.memory_space<vmem>> -> memref<1x8x128xf32, #tpu.memory_space<vmem>>
        %dma_wait3A_457 = tpu.memref_squeeze %dma_wait3A_456 : memref<1x8x128xf32, #tpu.memory_space<vmem>> -> memref<8x128xf32, #tpu.memory_space<vmem>>
        %dma_wait3A_458 = arith.constant 0 : i32
        %dma_wait3A_459 = arith.constant 0 : i32
        %dma_wait3A_460 = tpu.memref_slice %arg2[%dma_wait3A_458, %dma_wait3A_459] : memref<32x1000000xf32, #tpu.memory_space<hbm>> -> memref<8x128xf32, #tpu.memory_space<hbm>>
        %dma_wait3A_461 = arith.constant 0 : i32
        %dma_wait3A_462 = arith.constant 0 : i32
        %dma_wait3A_463 = tpu.memref_slice %arg5[%dma_wait3A_453, %dma_wait3A_461, %dma_wait3A_462] : memref<16x8x128xf32, #tpu.memory_space<vmem>> -> memref<1x8x128xf32, #tpu.memory_space<vmem>>
        %dma_wait3A_464 = tpu.memref_squeeze %dma_wait3A_463 : memref<1x8x128xf32, #tpu.memory_space<vmem>> -> memref<8x128xf32, #tpu.memory_space<vmem>>
        %dma_wait3A_465 = arith.constant 0 : i32
        %dma_wait3A_466 = arith.constant 0 : i32
        %dma_wait3A_467 = tpu.memref_slice %arg2[%dma_wait3A_465, %dma_wait3A_466] : memref<32x1000000xf32, #tpu.memory_space<hbm>> -> memref<8x128xf32, #tpu.memory_space<hbm>>
        tpu.wait_dma2 semaphore(%arg7 : memref<!tpu.dma_semaphore, #tpu.memory_space<semaphore_mem>>) src(%dma_wait3A_467 : memref<8x128xf32, #tpu.memory_space<hbm>>) dst(%dma_wait3A_464 : memref<8x128xf32, #tpu.memory_space<vmem>>)
        %dma_wait3A_468 = arith.constant 9 : i32
        %dma_wait3A_469 = arith.constant 0 : i32
        %dma_wait3A_470 = arith.constant 0 : i32
        %dma_wait3A_471 = tpu.memref_slice %arg5[%dma_wait3A_468, %dma_wait3A_469, %dma_wait3A_470] : memref<16x8x128xf32, #tpu.memory_space<vmem>> -> memref<1x8x128xf32, #tpu.memory_space<vmem>>
        %dma_wait3A_472 = tpu.memref_squeeze %dma_wait3A_471 : memref<1x8x128xf32, #tpu.memory_space<vmem>> -> memref<8x128xf32, #tpu.memory_space<vmem>>
        %dma_wait3A_473 = arith.constant 0 : i32
        %dma_wait3A_474 = arith.constant 0 : i32
        %dma_wait3A_475 = tpu.memref_slice %arg2[%dma_wait3A_473, %dma_wait3A_474] : memref<32x1000000xf32, #tpu.memory_space<hbm>> -> memref<8x128xf32, #tpu.memory_space<hbm>>
        %dma_wait3A_476 = arith.constant 0 : i32
        %dma_wait3A_477 = arith.constant 0 : i32
        %dma_wait3A_478 = tpu.memref_slice %arg5[%dma_wait3A_468, %dma_wait3A_476, %dma_wait3A_477] : memref<16x8x128xf32, #tpu.memory_space<vmem>> -> memref<1x8x128xf32, #tpu.memory_space<vmem>>
        %dma_wait3A_479 = tpu.memref_squeeze %dma_wait3A_478 : memref<1x8x128xf32, #tpu.memory_space<vmem>> -> memref<8x128xf32, #tpu.memory_space<vmem>>
        %dma_wait3A_480 = arith.constant 0 : i32
        %dma_wait3A_481 = arith.constant 0 : i32
        %dma_wait3A_482 = tpu.memref_slice %arg2[%dma_wait3A_480, %dma_wait3A_481] : memref<32x1000000xf32, #tpu.memory_space<hbm>> -> memref<8x128xf32, #tpu.memory_space<hbm>>
        tpu.wait_dma2 semaphore(%arg7 : memref<!tpu.dma_semaphore, #tpu.memory_space<semaphore_mem>>) src(%dma_wait3A_482 : memref<8x128xf32, #tpu.memory_space<hbm>>) dst(%dma_wait3A_479 : memref<8x128xf32, #tpu.memory_space<vmem>>)
        %dma_wait3A_483 = arith.constant 10 : i32
        %dma_wait3A_484 = arith.constant 0 : i32
        %dma_wait3A_485 = arith.constant 0 : i32
        %dma_wait3A_486 = tpu.memref_slice %arg5[%dma_wait3A_483, %dma_wait3A_484, %dma_wait3A_485] : memref<16x8x128xf32, #tpu.memory_space<vmem>> -> memref<1x8x128xf32, #tpu.memory_space<vmem>>
        %dma_wait3A_487 = tpu.memref_squeeze %dma_wait3A_486 : memref<1x8x128xf32, #tpu.memory_space<vmem>> -> memref<8x128xf32, #tpu.memory_space<vmem>>
        %dma_wait3A_488 = arith.constant 0 : i32
        %dma_wait3A_489 = arith.constant 0 : i32
        %dma_wait3A_490 = tpu.memref_slice %arg2[%dma_wait3A_488, %dma_wait3A_489] : memref<32x1000000xf32, #tpu.memory_space<hbm>> -> memref<8x128xf32, #tpu.memory_space<hbm>>
        %dma_wait3A_491 = arith.constant 0 : i32
        %dma_wait3A_492 = arith.constant 0 : i32
        %dma_wait3A_493 = tpu.memref_slice %arg5[%dma_wait3A_483, %dma_wait3A_491, %dma_wait3A_492] : memref<16x8x128xf32, #tpu.memory_space<vmem>> -> memref<1x8x128xf32, #tpu.memory_space<vmem>>
        %dma_wait3A_494 = tpu.memref_squeeze %dma_wait3A_493 : memref<1x8x128xf32, #tpu.memory_space<vmem>> -> memref<8x128xf32, #tpu.memory_space<vmem>>
        %dma_wait3A_495 = arith.constant 0 : i32
        %dma_wait3A_496 = arith.constant 0 : i32
        %dma_wait3A_497 = tpu.memref_slice %arg2[%dma_wait3A_495, %dma_wait3A_496] : memref<32x1000000xf32, #tpu.memory_space<hbm>> -> memref<8x128xf32, #tpu.memory_space<hbm>>
        tpu.wait_dma2 semaphore(%arg7 : memref<!tpu.dma_semaphore, #tpu.memory_space<semaphore_mem>>) src(%dma_wait3A_497 : memref<8x128xf32, #tpu.memory_space<hbm>>) dst(%dma_wait3A_494 : memref<8x128xf32, #tpu.memory_space<vmem>>)
        %dma_wait3A_498 = arith.constant 11 : i32
        %dma_wait3A_499 = arith.constant 0 : i32
        %dma_wait3A_500 = arith.constant 0 : i32
        %dma_wait3A_501 = tpu.memref_slice %arg5[%dma_wait3A_498, %dma_wait3A_499, %dma_wait3A_500] : memref<16x8x128xf32, #tpu.memory_space<vmem>> -> memref<1x8x128xf32, #tpu.memory_space<vmem>>
        %dma_wait3A_502 = tpu.memref_squeeze %dma_wait3A_501 : memref<1x8x128xf32, #tpu.memory_space<vmem>> -> memref<8x128xf32, #tpu.memory_space<vmem>>
        %dma_wait3A_503 = arith.constant 0 : i32
        %dma_wait3A_504 = arith.constant 0 : i32
        %dma_wait3A_505 = tpu.memref_slice %arg2[%dma_wait3A_503, %dma_wait3A_504] : memref<32x1000000xf32, #tpu.memory_space<hbm>> -> memref<8x128xf32, #tpu.memory_space<hbm>>
        %dma_wait3A_506 = arith.constant 0 : i32
        %dma_wait3A_507 = arith.constant 0 : i32
        %dma_wait3A_508 = tpu.memref_slice %arg5[%dma_wait3A_498, %dma_wait3A_506, %dma_wait3A_507] : memref<16x8x128xf32, #tpu.memory_space<vmem>> -> memref<1x8x128xf32, #tpu.memory_space<vmem>>
        %dma_wait3A_509 = tpu.memref_squeeze %dma_wait3A_508 : memref<1x8x128xf32, #tpu.memory_space<vmem>> -> memref<8x128xf32, #tpu.memory_space<vmem>>
        %dma_wait3A_510 = arith.constant 0 : i32
        %dma_wait3A_511 = arith.constant 0 : i32
        %dma_wait3A_512 = tpu.memref_slice %arg2[%dma_wait3A_510, %dma_wait3A_511] : memref<32x1000000xf32, #tpu.memory_space<hbm>> -> memref<8x128xf32, #tpu.memory_space<hbm>>
        tpu.wait_dma2 semaphore(%arg7 : memref<!tpu.dma_semaphore, #tpu.memory_space<semaphore_mem>>) src(%dma_wait3A_512 : memref<8x128xf32, #tpu.memory_space<hbm>>) dst(%dma_wait3A_509 : memref<8x128xf32, #tpu.memory_space<vmem>>)
        %dma_wait3A_513 = arith.constant 12 : i32
        %dma_wait3A_514 = arith.constant 0 : i32
        %dma_wait3A_515 = arith.constant 0 : i32
        %dma_wait3A_516 = tpu.memref_slice %arg5[%dma_wait3A_513, %dma_wait3A_514, %dma_wait3A_515] : memref<16x8x128xf32, #tpu.memory_space<vmem>> -> memref<1x8x128xf32, #tpu.memory_space<vmem>>
        %dma_wait3A_517 = tpu.memref_squeeze %dma_wait3A_516 : memref<1x8x128xf32, #tpu.memory_space<vmem>> -> memref<8x128xf32, #tpu.memory_space<vmem>>
        %dma_wait3A_518 = arith.constant 0 : i32
        %dma_wait3A_519 = arith.constant 0 : i32
        %dma_wait3A_520 = tpu.memref_slice %arg2[%dma_wait3A_518, %dma_wait3A_519] : memref<32x1000000xf32, #tpu.memory_space<hbm>> -> memref<8x128xf32, #tpu.memory_space<hbm>>
        %dma_wait3A_521 = arith.constant 0 : i32
        %dma_wait3A_522 = arith.constant 0 : i32
        %dma_wait3A_523 = tpu.memref_slice %arg5[%dma_wait3A_513, %dma_wait3A_521, %dma_wait3A_522] : memref<16x8x128xf32, #tpu.memory_space<vmem>> -> memref<1x8x128xf32, #tpu.memory_space<vmem>>
        %dma_wait3A_524 = tpu.memref_squeeze %dma_wait3A_523 : memref<1x8x128xf32, #tpu.memory_space<vmem>> -> memref<8x128xf32, #tpu.memory_space<vmem>>
        %dma_wait3A_525 = arith.constant 0 : i32
        %dma_wait3A_526 = arith.constant 0 : i32
        %dma_wait3A_527 = tpu.memref_slice %arg2[%dma_wait3A_525, %dma_wait3A_526] : memref<32x1000000xf32, #tpu.memory_space<hbm>> -> memref<8x128xf32, #tpu.memory_space<hbm>>
        tpu.wait_dma2 semaphore(%arg7 : memref<!tpu.dma_semaphore, #tpu.memory_space<semaphore_mem>>) src(%dma_wait3A_527 : memref<8x128xf32, #tpu.memory_space<hbm>>) dst(%dma_wait3A_524 : memref<8x128xf32, #tpu.memory_space<vmem>>)
        %dma_wait3A_528 = arith.constant 13 : i32
        %dma_wait3A_529 = arith.constant 0 : i32
        %dma_wait3A_530 = arith.constant 0 : i32
        %dma_wait3A_531 = tpu.memref_slice %arg5[%dma_wait3A_528, %dma_wait3A_529, %dma_wait3A_530] : memref<16x8x128xf32, #tpu.memory_space<vmem>> -> memref<1x8x128xf32, #tpu.memory_space<vmem>>
        %dma_wait3A_532 = tpu.memref_squeeze %dma_wait3A_531 : memref<1x8x128xf32, #tpu.memory_space<vmem>> -> memref<8x128xf32, #tpu.memory_space<vmem>>
        %dma_wait3A_533 = arith.constant 0 : i32
        %dma_wait3A_534 = arith.constant 0 : i32
        %dma_wait3A_535 = tpu.memref_slice %arg2[%dma_wait3A_533, %dma_wait3A_534] : memref<32x1000000xf32, #tpu.memory_space<hbm>> -> memref<8x128xf32, #tpu.memory_space<hbm>>
        %dma_wait3A_536 = arith.constant 0 : i32
        %dma_wait3A_537 = arith.constant 0 : i32
        %dma_wait3A_538 = tpu.memref_slice %arg5[%dma_wait3A_528, %dma_wait3A_536, %dma_wait3A_537] : memref<16x8x128xf32, #tpu.memory_space<vmem>> -> memref<1x8x128xf32, #tpu.memory_space<vmem>>
        %dma_wait3A_539 = tpu.memref_squeeze %dma_wait3A_538 : memref<1x8x128xf32, #tpu.memory_space<vmem>> -> memref<8x128xf32, #tpu.memory_space<vmem>>
        %dma_wait3A_540 = arith.constant 0 : i32
        %dma_wait3A_541 = arith.constant 0 : i32
        %dma_wait3A_542 = tpu.memref_slice %arg2[%dma_wait3A_540, %dma_wait3A_541] : memref<32x1000000xf32, #tpu.memory_space<hbm>> -> memref<8x128xf32, #tpu.memory_space<hbm>>
        tpu.wait_dma2 semaphore(%arg7 : memref<!tpu.dma_semaphore, #tpu.memory_space<semaphore_mem>>) src(%dma_wait3A_542 : memref<8x128xf32, #tpu.memory_space<hbm>>) dst(%dma_wait3A_539 : memref<8x128xf32, #tpu.memory_space<vmem>>)
        %dma_wait3A_543 = arith.constant 14 : i32
        %dma_wait3A_544 = arith.constant 0 : i32
        %dma_wait3A_545 = arith.constant 0 : i32
        %dma_wait3A_546 = tpu.memref_slice %arg5[%dma_wait3A_543, %dma_wait3A_544, %dma_wait3A_545] : memref<16x8x128xf32, #tpu.memory_space<vmem>> -> memref<1x8x128xf32, #tpu.memory_space<vmem>>
        %dma_wait3A_547 = tpu.memref_squeeze %dma_wait3A_546 : memref<1x8x128xf32, #tpu.memory_space<vmem>> -> memref<8x128xf32, #tpu.memory_space<vmem>>
        %dma_wait3A_548 = arith.constant 0 : i32
        %dma_wait3A_549 = arith.constant 0 : i32
        %dma_wait3A_550 = tpu.memref_slice %arg2[%dma_wait3A_548, %dma_wait3A_549] : memref<32x1000000xf32, #tpu.memory_space<hbm>> -> memref<8x128xf32, #tpu.memory_space<hbm>>
        %dma_wait3A_551 = arith.constant 0 : i32
        %dma_wait3A_552 = arith.constant 0 : i32
        %dma_wait3A_553 = tpu.memref_slice %arg5[%dma_wait3A_543, %dma_wait3A_551, %dma_wait3A_552] : memref<16x8x128xf32, #tpu.memory_space<vmem>> -> memref<1x8x128xf32, #tpu.memory_space<vmem>>
        %dma_wait3A_554 = tpu.memref_squeeze %dma_wait3A_553 : memref<1x8x128xf32, #tpu.memory_space<vmem>> -> memref<8x128xf32, #tpu.memory_space<vmem>>
        %dma_wait3A_555 = arith.constant 0 : i32
        %dma_wait3A_556 = arith.constant 0 : i32
        %dma_wait3A_557 = tpu.memref_slice %arg2[%dma_wait3A_555, %dma_wait3A_556] : memref<32x1000000xf32, #tpu.memory_space<hbm>> -> memref<8x128xf32, #tpu.memory_space<hbm>>
        tpu.wait_dma2 semaphore(%arg7 : memref<!tpu.dma_semaphore, #tpu.memory_space<semaphore_mem>>) src(%dma_wait3A_557 : memref<8x128xf32, #tpu.memory_space<hbm>>) dst(%dma_wait3A_554 : memref<8x128xf32, #tpu.memory_space<vmem>>)
        %dma_wait3A_558 = arith.constant 15 : i32
        %dma_wait3A_559 = arith.constant 0 : i32
        %dma_wait3A_560 = arith.constant 0 : i32
        %dma_wait3A_561 = tpu.memref_slice %arg5[%dma_wait3A_558, %dma_wait3A_559, %dma_wait3A_560] : memref<16x8x128xf32, #tpu.memory_space<vmem>> -> memref<1x8x128xf32, #tpu.memory_space<vmem>>
        %dma_wait3A_562 = tpu.memref_squeeze %dma_wait3A_561 : memref<1x8x128xf32, #tpu.memory_space<vmem>> -> memref<8x128xf32, #tpu.memory_space<vmem>>
        %dma_wait3A_563 = arith.constant 0 : i32
        %dma_wait3A_564 = arith.constant 0 : i32
        %dma_wait3A_565 = tpu.memref_slice %arg2[%dma_wait3A_563, %dma_wait3A_564] : memref<32x1000000xf32, #tpu.memory_space<hbm>> -> memref<8x128xf32, #tpu.memory_space<hbm>>
        %dma_wait3A_566 = arith.constant 0 : i32
        %dma_wait3A_567 = arith.constant 0 : i32
        %dma_wait3A_568 = tpu.memref_slice %arg5[%dma_wait3A_558, %dma_wait3A_566, %dma_wait3A_567] : memref<16x8x128xf32, #tpu.memory_space<vmem>> -> memref<1x8x128xf32, #tpu.memory_space<vmem>>
        %dma_wait3A_569 = tpu.memref_squeeze %dma_wait3A_568 : memref<1x8x128xf32, #tpu.memory_space<vmem>> -> memref<8x128xf32, #tpu.memory_space<vmem>>
        %dma_wait3A_570 = arith.constant 0 : i32
        %dma_wait3A_571 = arith.constant 0 : i32
        %dma_wait3A_572 = tpu.memref_slice %arg2[%dma_wait3A_570, %dma_wait3A_571] : memref<32x1000000xf32, #tpu.memory_space<hbm>> -> memref<8x128xf32, #tpu.memory_space<hbm>>
        tpu.wait_dma2 semaphore(%arg7 : memref<!tpu.dma_semaphore, #tpu.memory_space<semaphore_mem>>) src(%dma_wait3A_572 : memref<8x128xf32, #tpu.memory_space<hbm>>) dst(%dma_wait3A_569 : memref<8x128xf32, #tpu.memory_space<vmem>>)
        %scan3A_573 = arith.constant 0 : i32
        %scan3A_574 = arith.constant 0 : i32
        %scan3A_575 = arith.constant 32 : i32
        %scan3A_576 = arith.addi %scan3A_574, %scan3A_575 : i32
        %scan3A_577 = arith.constant 1 : i32
        scf.for %scan3A_588 = %scan3A_574 to %scan3A_576 step %scan3A_577  : i32 {
          %jit3A = arith.constant 8 : i32
          %div3A = arith.divsi %scan3A_588, %jit3A : i32
          %sign3A = arith.constant 0 : i32
          %sign3A_589 = arith.cmpi sgt, %scan3A_588, %sign3A : i32
          %sign3A_590 = arith.extui %sign3A_589 : i1 to i32
          %sign3A_591 = arith.constant 0 : i32
          %sign3A_592 = arith.cmpi slt, %scan3A_588, %sign3A_591 : i32
          %sign3A_593 = arith.extui %sign3A_592 : i1 to i32
          %sign3A_594 = arith.subi %sign3A_590, %sign3A_593 : i32
          %sign3A_595 = arith.constant 0 : i32
          %sign3A_596 = arith.cmpi sgt, %jit3A, %sign3A_595 : i32
          %sign3A_597 = arith.extui %sign3A_596 : i1 to i32
          %sign3A_598 = arith.constant 0 : i32
          %sign3A_599 = arith.cmpi slt, %jit3A, %sign3A_598 : i32
          %sign3A_600 = arith.extui %sign3A_599 : i1 to i32
          %sign3A_601 = arith.subi %sign3A_597, %sign3A_600 : i32
          %ne3A = arith.cmpi ne, %sign3A_594, %sign3A_601 : i32
          %rem3A = arith.remsi %scan3A_588, %jit3A : i32
          %ne3A_602 = arith.constant 0 : i32
          %ne3A_603 = arith.cmpi ne, %rem3A, %ne3A_602 : i32
          %and3A = arith.andi %ne3A, %ne3A_603 : i1
          %sub3A = arith.constant 1 : i32
          %sub3A_604 = arith.subi %div3A, %sub3A : i32
          %select_n3A = arith.select %and3A, %sub3A_604, %div3A : i32
          %jit3A_605 = arith.constant 8 : i32
          %eq3A_606 = arith.constant 0 : i32
          %eq3A_607 = arith.cmpi eq, %jit3A_605, %eq3A_606 : i32
          %jit3A_608 = arith.constant 1 : i32
          %select_n3A_609 = arith.select %eq3A_607, %jit3A_608, %jit3A_605 : i32
          %rem3A_610 = arith.remsi %scan3A_588, %select_n3A_609 : i32
          %ne3A_611 = arith.constant 0 : i32
          %ne3A_612 = arith.cmpi ne, %rem3A_610, %ne3A_611 : i32
          %lt3A_613 = arith.constant 0 : i32
          %lt3A_614 = arith.cmpi slt, %rem3A_610, %lt3A_613 : i32
          %lt3A_615 = arith.constant 0 : i32
          %lt3A_616 = arith.cmpi slt, %select_n3A_609, %lt3A_615 : i32
          %ne3A_617 = arith.xori %lt3A_614, %lt3A_616 : i1
          %and3A_618 = arith.andi %ne3A_617, %ne3A_612 : i1
          %add3A_619 = arith.addi %rem3A_610, %select_n3A_609 : i32
          %select_n3A_620 = arith.select %and3A_618, %add3A_619, %rem3A_610 : i32
          %mul3A_621 = arith.constant 16 : i32
          %mul3A_622 = arith.muli %select_n3A_620, %mul3A_621 : i32
          %add3A_623 = vector.broadcast %mul3A_622 : i32 to vector<16xi32>
          %add3A_624 = arith.addi %add3A_623, %iota3A : vector<16xi32>
          %mul3A_625 = arith.constant 128 : i32
          %mul3A_626 = arith.muli %select_n3A, %mul3A_625 : i32
          %add3A_627 = vector.broadcast %mul3A_626 : i32 to vector<16xi32>
          %add3A_628 = arith.addi %add3A_627, %add3A_624 : vector<16xi32>
          %add3A_629 = arith.constant 0 : i32
          %add3A_630 = vector.broadcast %add3A_629 : i32 to vector<16xi32>
          %add3A_631 = arith.addi %add3A_630, %iota3A : vector<16xi32>
          %and3A_632 = arith.constant 31 : i32
          %and3A_633 = vector.broadcast %and3A_632 : i32 to vector<16xi32>
          %and3A_634 = arith.andi %add3A_631, %and3A_633 : vector<16xi32>
          %shift_right_arithmetic3A = arith.constant 3 : i32
          %shift_right_arithmetic3A_635 = vector.broadcast %shift_right_arithmetic3A : i32 to vector<16xi32>
          %shift_right_arithmetic3A_636 = arith.shrsi %and3A_634, %shift_right_arithmetic3A_635 : vector<16xi32>
          %mul3A_637 = arith.constant 4 : i32
          %mul3A_638 = vector.broadcast %mul3A_637 : i32 to vector<16xi32>
          %mul3A_639 = arith.muli %shift_right_arithmetic3A_636, %mul3A_638 : vector<16xi32>
          %add3A_640 = vector.broadcast %select_n3A : i32 to vector<16xi32>
          %add3A_641 = arith.addi %mul3A_639, %add3A_640 : vector<16xi32>
          %and3A_642 = arith.constant 7 : i32
          %and3A_643 = vector.broadcast %and3A_642 : i32 to vector<16xi32>
          %and3A_644 = arith.andi %and3A_634, %and3A_643 : vector<16xi32>
          %gather3A = tpu.vector_load_idx %arg5[%add3A_641, %and3A_644, %add3A_624] : memref<16x8x128xf32, #tpu.memory_space<vmem>>[vector<16xi32>, vector<16xi32>, vector<16xi32>], vector<16xf32>,
          %mul3A_645 = arith.constant 32 : i32
          %mul3A_646 = vector.broadcast %mul3A_645 : i32 to vector<16xi32>
          %mul3A_647 = arith.muli %add3A_628, %mul3A_646 : vector<16xi32>
          %add3A_648 = arith.addi %mul3A_647, %and3A_634 : vector<16xi32>
          %add3A_649 = arith.constant 1 : i32
          %add3A_650 = vector.broadcast %add3A_649 : i32 to vector<16xi32>
          %add3A_651 = arith.addi %add3A_650, %iota3A : vector<16xi32>
          %and3A_652 = arith.constant 31 : i32
          %and3A_653 = vector.broadcast %and3A_652 : i32 to vector<16xi32>
          %and3A_654 = arith.andi %add3A_651, %and3A_653 : vector<16xi32>
          %shift_right_arithmetic3A_655 = arith.constant 3 : i32
          %shift_right_arithmetic3A_656 = vector.broadcast %shift_right_arithmetic3A_655 : i32 to vector<16xi32>
          %shift_right_arithmetic3A_657 = arith.shrsi %and3A_654, %shift_right_arithmetic3A_656 : vector<16xi32>
          %mul3A_658 = arith.constant 4 : i32
          %mul3A_659 = vector.broadcast %mul3A_658 : i32 to vector<16xi32>
          %mul3A_660 = arith.muli %shift_right_arithmetic3A_657, %mul3A_659 : vector<16xi32>
          %add3A_661 = vector.broadcast %select_n3A : i32 to vector<16xi32>
          %add3A_662 = arith.addi %mul3A_660, %add3A_661 : vector<16xi32>
          %and3A_663 = arith.constant 7 : i32
          %and3A_664 = vector.broadcast %and3A_663 : i32 to vector<16xi32>
          %and3A_665 = arith.andi %and3A_654, %and3A_664 : vector<16xi32>
          %gather3A_666 = tpu.vector_load_idx %arg5[%add3A_662, %and3A_665, %add3A_624] : memref<16x8x128xf32, #tpu.memory_space<vmem>>[vector<16xi32>, vector<16xi32>, vector<16xi32>], vector<16xf32>,
          %mul3A_667 = arith.constant 32 : i32
          %mul3A_668 = vector.broadcast %mul3A_667 : i32 to vector<16xi32>
          %mul3A_669 = arith.muli %add3A_628, %mul3A_668 : vector<16xi32>
          %add3A_670 = arith.addi %mul3A_669, %and3A_654 : vector<16xi32>
          %add3A_671 = arith.constant 2 : i32
          %add3A_672 = vector.broadcast %add3A_671 : i32 to vector<16xi32>
          %add3A_673 = arith.addi %add3A_672, %iota3A : vector<16xi32>
          %and3A_674 = arith.constant 31 : i32
          %and3A_675 = vector.broadcast %and3A_674 : i32 to vector<16xi32>
          %and3A_676 = arith.andi %add3A_673, %and3A_675 : vector<16xi32>
          %shift_right_arithmetic3A_677 = arith.constant 3 : i32
          %shift_right_arithmetic3A_678 = vector.broadcast %shift_right_arithmetic3A_677 : i32 to vector<16xi32>
          %shift_right_arithmetic3A_679 = arith.shrsi %and3A_676, %shift_right_arithmetic3A_678 : vector<16xi32>
          %mul3A_680 = arith.constant 4 : i32
          %mul3A_681 = vector.broadcast %mul3A_680 : i32 to vector<16xi32>
          %mul3A_682 = arith.muli %shift_right_arithmetic3A_679, %mul3A_681 : vector<16xi32>
          %add3A_683 = vector.broadcast %select_n3A : i32 to vector<16xi32>
          %add3A_684 = arith.addi %mul3A_682, %add3A_683 : vector<16xi32>
          %and3A_685 = arith.constant 7 : i32
          %and3A_686 = vector.broadcast %and3A_685 : i32 to vector<16xi32>
          %and3A_687 = arith.andi %and3A_676, %and3A_686 : vector<16xi32>
          %gather3A_688 = tpu.vector_load_idx %arg5[%add3A_684, %and3A_687, %add3A_624] : memref<16x8x128xf32, #tpu.memory_space<vmem>>[vector<16xi32>, vector<16xi32>, vector<16xi32>], vector<16xf32>,
          %mul3A_689 = arith.constant 32 : i32
          %mul3A_690 = vector.broadcast %mul3A_689 : i32 to vector<16xi32>
          %mul3A_691 = arith.muli %add3A_628, %mul3A_690 : vector<16xi32>
          %add3A_692 = arith.addi %mul3A_691, %and3A_676 : vector<16xi32>
          %add3A_693 = arith.constant 3 : i32
          %add3A_694 = vector.broadcast %add3A_693 : i32 to vector<16xi32>
          %add3A_695 = arith.addi %add3A_694, %iota3A : vector<16xi32>
          %and3A_696 = arith.constant 31 : i32
          %and3A_697 = vector.broadcast %and3A_696 : i32 to vector<16xi32>
          %and3A_698 = arith.andi %add3A_695, %and3A_697 : vector<16xi32>
          %shift_right_arithmetic3A_699 = arith.constant 3 : i32
          %shift_right_arithmetic3A_700 = vector.broadcast %shift_right_arithmetic3A_699 : i32 to vector<16xi32>
          %shift_right_arithmetic3A_701 = arith.shrsi %and3A_698, %shift_right_arithmetic3A_700 : vector<16xi32>
          %mul3A_702 = arith.constant 4 : i32
          %mul3A_703 = vector.broadcast %mul3A_702 : i32 to vector<16xi32>
          %mul3A_704 = arith.muli %shift_right_arithmetic3A_701, %mul3A_703 : vector<16xi32>
          %add3A_705 = vector.broadcast %select_n3A : i32 to vector<16xi32>
          %add3A_706 = arith.addi %mul3A_704, %add3A_705 : vector<16xi32>
          %and3A_707 = arith.constant 7 : i32
          %and3A_708 = vector.broadcast %and3A_707 : i32 to vector<16xi32>
          %and3A_709 = arith.andi %and3A_698, %and3A_708 : vector<16xi32>
          %gather3A_710 = tpu.vector_load_idx %arg5[%add3A_706, %and3A_709, %add3A_624] : memref<16x8x128xf32, #tpu.memory_space<vmem>>[vector<16xi32>, vector<16xi32>, vector<16xi32>], vector<16xf32>,
          %mul3A_711 = arith.constant 32 : i32
          %mul3A_712 = vector.broadcast %mul3A_711 : i32 to vector<16xi32>
          %mul3A_713 = arith.muli %add3A_628, %mul3A_712 : vector<16xi32>
          %add3A_714 = arith.addi %mul3A_713, %and3A_698 : vector<16xi32>
          %add3A_715 = arith.constant 4 : i32
          %add3A_716 = vector.broadcast %add3A_715 : i32 to vector<16xi32>
          %add3A_717 = arith.addi %add3A_716, %iota3A : vector<16xi32>
          %and3A_718 = arith.constant 31 : i32
          %and3A_719 = vector.broadcast %and3A_718 : i32 to vector<16xi32>
          %and3A_720 = arith.andi %add3A_717, %and3A_719 : vector<16xi32>
          %shift_right_arithmetic3A_721 = arith.constant 3 : i32
          %shift_right_arithmetic3A_722 = vector.broadcast %shift_right_arithmetic3A_721 : i32 to vector<16xi32>
          %shift_right_arithmetic3A_723 = arith.shrsi %and3A_720, %shift_right_arithmetic3A_722 : vector<16xi32>
          %mul3A_724 = arith.constant 4 : i32
          %mul3A_725 = vector.broadcast %mul3A_724 : i32 to vector<16xi32>
          %mul3A_726 = arith.muli %shift_right_arithmetic3A_723, %mul3A_725 : vector<16xi32>
          %add3A_727 = vector.broadcast %select_n3A : i32 to vector<16xi32>
          %add3A_728 = arith.addi %mul3A_726, %add3A_727 : vector<16xi32>
          %and3A_729 = arith.constant 7 : i32
          %and3A_730 = vector.broadcast %and3A_729 : i32 to vector<16xi32>
          %and3A_731 = arith.andi %and3A_720, %and3A_730 : vector<16xi32>
          %gather3A_732 = tpu.vector_load_idx %arg5[%add3A_728, %and3A_731, %add3A_624] : memref<16x8x128xf32, #tpu.memory_space<vmem>>[vector<16xi32>, vector<16xi32>, vector<16xi32>], vector<16xf32>,
          %mul3A_733 = arith.constant 32 : i32
          %mul3A_734 = vector.broadcast %mul3A_733 : i32 to vector<16xi32>
          %mul3A_735 = arith.muli %add3A_628, %mul3A_734 : vector<16xi32>
          %add3A_736 = arith.addi %mul3A_735, %and3A_720 : vector<16xi32>
          %add3A_737 = arith.constant 5 : i32
          %add3A_738 = vector.broadcast %add3A_737 : i32 to vector<16xi32>
          %add3A_739 = arith.addi %add3A_738, %iota3A : vector<16xi32>
          %and3A_740 = arith.constant 31 : i32
          %and3A_741 = vector.broadcast %and3A_740 : i32 to vector<16xi32>
          %and3A_742 = arith.andi %add3A_739, %and3A_741 : vector<16xi32>
          %shift_right_arithmetic3A_743 = arith.constant 3 : i32
          %shift_right_arithmetic3A_744 = vector.broadcast %shift_right_arithmetic3A_743 : i32 to vector<16xi32>
          %shift_right_arithmetic3A_745 = arith.shrsi %and3A_742, %shift_right_arithmetic3A_744 : vector<16xi32>
          %mul3A_746 = arith.constant 4 : i32
          %mul3A_747 = vector.broadcast %mul3A_746 : i32 to vector<16xi32>
          %mul3A_748 = arith.muli %shift_right_arithmetic3A_745, %mul3A_747 : vector<16xi32>
          %add3A_749 = vector.broadcast %select_n3A : i32 to vector<16xi32>
          %add3A_750 = arith.addi %mul3A_748, %add3A_749 : vector<16xi32>
          %and3A_751 = arith.constant 7 : i32
          %and3A_752 = vector.broadcast %and3A_751 : i32 to vector<16xi32>
          %and3A_753 = arith.andi %and3A_742, %and3A_752 : vector<16xi32>
          %gather3A_754 = tpu.vector_load_idx %arg5[%add3A_750, %and3A_753, %add3A_624] : memref<16x8x128xf32, #tpu.memory_space<vmem>>[vector<16xi32>, vector<16xi32>, vector<16xi32>], vector<16xf32>,
          %mul3A_755 = arith.constant 32 : i32
          %mul3A_756 = vector.broadcast %mul3A_755 : i32 to vector<16xi32>
          %mul3A_757 = arith.muli %add3A_628, %mul3A_756 : vector<16xi32>
          %add3A_758 = arith.addi %mul3A_757, %and3A_742 : vector<16xi32>
          %add3A_759 = arith.constant 6 : i32
          %add3A_760 = vector.broadcast %add3A_759 : i32 to vector<16xi32>
          %add3A_761 = arith.addi %add3A_760, %iota3A : vector<16xi32>
          %and3A_762 = arith.constant 31 : i32
          %and3A_763 = vector.broadcast %and3A_762 : i32 to vector<16xi32>
          %and3A_764 = arith.andi %add3A_761, %and3A_763 : vector<16xi32>
          %shift_right_arithmetic3A_765 = arith.constant 3 : i32
          %shift_right_arithmetic3A_766 = vector.broadcast %shift_right_arithmetic3A_765 : i32 to vector<16xi32>
          %shift_right_arithmetic3A_767 = arith.shrsi %and3A_764, %shift_right_arithmetic3A_766 : vector<16xi32>
          %mul3A_768 = arith.constant 4 : i32
          %mul3A_769 = vector.broadcast %mul3A_768 : i32 to vector<16xi32>
          %mul3A_770 = arith.muli %shift_right_arithmetic3A_767, %mul3A_769 : vector<16xi32>
          %add3A_771 = vector.broadcast %select_n3A : i32 to vector<16xi32>
          %add3A_772 = arith.addi %mul3A_770, %add3A_771 : vector<16xi32>
          %and3A_773 = arith.constant 7 : i32
          %and3A_774 = vector.broadcast %and3A_773 : i32 to vector<16xi32>
          %and3A_775 = arith.andi %and3A_764, %and3A_774 : vector<16xi32>
          %gather3A_776 = tpu.vector_load_idx %arg5[%add3A_772, %and3A_775, %add3A_624] : memref<16x8x128xf32, #tpu.memory_space<vmem>>[vector<16xi32>, vector<16xi32>, vector<16xi32>], vector<16xf32>,
          %mul3A_777 = arith.constant 32 : i32
          %mul3A_778 = vector.broadcast %mul3A_777 : i32 to vector<16xi32>
          %mul3A_779 = arith.muli %add3A_628, %mul3A_778 : vector<16xi32>
          %add3A_780 = arith.addi %mul3A_779, %and3A_764 : vector<16xi32>
          %add3A_781 = arith.constant 7 : i32
          %add3A_782 = vector.broadcast %add3A_781 : i32 to vector<16xi32>
          %add3A_783 = arith.addi %add3A_782, %iota3A : vector<16xi32>
          %and3A_784 = arith.constant 31 : i32
          %and3A_785 = vector.broadcast %and3A_784 : i32 to vector<16xi32>
          %and3A_786 = arith.andi %add3A_783, %and3A_785 : vector<16xi32>
          %shift_right_arithmetic3A_787 = arith.constant 3 : i32
          %shift_right_arithmetic3A_788 = vector.broadcast %shift_right_arithmetic3A_787 : i32 to vector<16xi32>
          %shift_right_arithmetic3A_789 = arith.shrsi %and3A_786, %shift_right_arithmetic3A_788 : vector<16xi32>
          %mul3A_790 = arith.constant 4 : i32
          %mul3A_791 = vector.broadcast %mul3A_790 : i32 to vector<16xi32>
          %mul3A_792 = arith.muli %shift_right_arithmetic3A_789, %mul3A_791 : vector<16xi32>
          %add3A_793 = vector.broadcast %select_n3A : i32 to vector<16xi32>
          %add3A_794 = arith.addi %mul3A_792, %add3A_793 : vector<16xi32>
          %and3A_795 = arith.constant 7 : i32
          %and3A_796 = vector.broadcast %and3A_795 : i32 to vector<16xi32>
          %and3A_797 = arith.andi %and3A_786, %and3A_796 : vector<16xi32>
          %gather3A_798 = tpu.vector_load_idx %arg5[%add3A_794, %and3A_797, %add3A_624] : memref<16x8x128xf32, #tpu.memory_space<vmem>>[vector<16xi32>, vector<16xi32>, vector<16xi32>], vector<16xf32>,
          %mul3A_799 = arith.constant 32 : i32
          %mul3A_800 = vector.broadcast %mul3A_799 : i32 to vector<16xi32>
          %mul3A_801 = arith.muli %add3A_628, %mul3A_800 : vector<16xi32>
          %add3A_802 = arith.addi %mul3A_801, %and3A_786 : vector<16xi32>
          tpu.vector_store_idx %arg6[%add3A_648], %gather3A : memref<16384xf32, #tpu.memory_space<vmem>>[vector<16xi32>], vector<16xf32>,
          tpu.vector_store_idx %arg6[%add3A_670], %gather3A_666 : memref<16384xf32, #tpu.memory_space<vmem>>[vector<16xi32>], vector<16xf32>,
          tpu.vector_store_idx %arg6[%add3A_692], %gather3A_688 : memref<16384xf32, #tpu.memory_space<vmem>>[vector<16xi32>], vector<16xf32>,
          tpu.vector_store_idx %arg6[%add3A_714], %gather3A_710 : memref<16384xf32, #tpu.memory_space<vmem>>[vector<16xi32>], vector<16xf32>,
          tpu.vector_store_idx %arg6[%add3A_736], %gather3A_732 : memref<16384xf32, #tpu.memory_space<vmem>>[vector<16xi32>], vector<16xf32>,
          tpu.vector_store_idx %arg6[%add3A_758], %gather3A_754 : memref<16384xf32, #tpu.memory_space<vmem>>[vector<16xi32>], vector<16xf32>,
          tpu.vector_store_idx %arg6[%add3A_780], %gather3A_776 : memref<16384xf32, #tpu.memory_space<vmem>>[vector<16xi32>], vector<16xf32>,
          tpu.vector_store_idx %arg6[%add3A_802], %gather3A_798 : memref<16384xf32, #tpu.memory_space<vmem>>[vector<16xi32>], vector<16xf32>,
          %add3A_803 = arith.constant 8 : i32
          %add3A_804 = vector.broadcast %add3A_803 : i32 to vector<16xi32>
          %add3A_805 = arith.addi %add3A_804, %iota3A : vector<16xi32>
          %and3A_806 = arith.constant 31 : i32
          %and3A_807 = vector.broadcast %and3A_806 : i32 to vector<16xi32>
          %and3A_808 = arith.andi %add3A_805, %and3A_807 : vector<16xi32>
          %shift_right_arithmetic3A_809 = arith.constant 3 : i32
          %shift_right_arithmetic3A_810 = vector.broadcast %shift_right_arithmetic3A_809 : i32 to vector<16xi32>
          %shift_right_arithmetic3A_811 = arith.shrsi %and3A_808, %shift_right_arithmetic3A_810 : vector<16xi32>
          %mul3A_812 = arith.constant 4 : i32
          %mul3A_813 = vector.broadcast %mul3A_812 : i32 to vector<16xi32>
          %mul3A_814 = arith.muli %shift_right_arithmetic3A_811, %mul3A_813 : vector<16xi32>
          %add3A_815 = vector.broadcast %select_n3A : i32 to vector<16xi32>
          %add3A_816 = arith.addi %mul3A_814, %add3A_815 : vector<16xi32>
          %and3A_817 = arith.constant 7 : i32
          %and3A_818 = vector.broadcast %and3A_817 : i32 to vector<16xi32>
          %and3A_819 = arith.andi %and3A_808, %and3A_818 : vector<16xi32>
          %gather3A_820 = tpu.vector_load_idx %arg5[%add3A_816, %and3A_819, %add3A_624] : memref<16x8x128xf32, #tpu.memory_space<vmem>>[vector<16xi32>, vector<16xi32>, vector<16xi32>], vector<16xf32>,
          %mul3A_821 = arith.constant 32 : i32
          %mul3A_822 = vector.broadcast %mul3A_821 : i32 to vector<16xi32>
          %mul3A_823 = arith.muli %add3A_628, %mul3A_822 : vector<16xi32>
          %add3A_824 = arith.addi %mul3A_823, %and3A_808 : vector<16xi32>
          %add3A_825 = arith.constant 9 : i32
          %add3A_826 = vector.broadcast %add3A_825 : i32 to vector<16xi32>
          %add3A_827 = arith.addi %add3A_826, %iota3A : vector<16xi32>
          %and3A_828 = arith.constant 31 : i32
          %and3A_829 = vector.broadcast %and3A_828 : i32 to vector<16xi32>
          %and3A_830 = arith.andi %add3A_827, %and3A_829 : vector<16xi32>
          %shift_right_arithmetic3A_831 = arith.constant 3 : i32
          %shift_right_arithmetic3A_832 = vector.broadcast %shift_right_arithmetic3A_831 : i32 to vector<16xi32>
          %shift_right_arithmetic3A_833 = arith.shrsi %and3A_830, %shift_right_arithmetic3A_832 : vector<16xi32>
          %mul3A_834 = arith.constant 4 : i32
          %mul3A_835 = vector.broadcast %mul3A_834 : i32 to vector<16xi32>
          %mul3A_836 = arith.muli %shift_right_arithmetic3A_833, %mul3A_835 : vector<16xi32>
          %add3A_837 = vector.broadcast %select_n3A : i32 to vector<16xi32>
          %add3A_838 = arith.addi %mul3A_836, %add3A_837 : vector<16xi32>
          %and3A_839 = arith.constant 7 : i32
          %and3A_840 = vector.broadcast %and3A_839 : i32 to vector<16xi32>
          %and3A_841 = arith.andi %and3A_830, %and3A_840 : vector<16xi32>
          %gather3A_842 = tpu.vector_load_idx %arg5[%add3A_838, %and3A_841, %add3A_624] : memref<16x8x128xf32, #tpu.memory_space<vmem>>[vector<16xi32>, vector<16xi32>, vector<16xi32>], vector<16xf32>,
          %mul3A_843 = arith.constant 32 : i32
          %mul3A_844 = vector.broadcast %mul3A_843 : i32 to vector<16xi32>
          %mul3A_845 = arith.muli %add3A_628, %mul3A_844 : vector<16xi32>
          %add3A_846 = arith.addi %mul3A_845, %and3A_830 : vector<16xi32>
          %add3A_847 = arith.constant 10 : i32
          %add3A_848 = vector.broadcast %add3A_847 : i32 to vector<16xi32>
          %add3A_849 = arith.addi %add3A_848, %iota3A : vector<16xi32>
          %and3A_850 = arith.constant 31 : i32
          %and3A_851 = vector.broadcast %and3A_850 : i32 to vector<16xi32>
          %and3A_852 = arith.andi %add3A_849, %and3A_851 : vector<16xi32>
          %shift_right_arithmetic3A_853 = arith.constant 3 : i32
          %shift_right_arithmetic3A_854 = vector.broadcast %shift_right_arithmetic3A_853 : i32 to vector<16xi32>
          %shift_right_arithmetic3A_855 = arith.shrsi %and3A_852, %shift_right_arithmetic3A_854 : vector<16xi32>
          %mul3A_856 = arith.constant 4 : i32
          %mul3A_857 = vector.broadcast %mul3A_856 : i32 to vector<16xi32>
          %mul3A_858 = arith.muli %shift_right_arithmetic3A_855, %mul3A_857 : vector<16xi32>
          %add3A_859 = vector.broadcast %select_n3A : i32 to vector<16xi32>
          %add3A_860 = arith.addi %mul3A_858, %add3A_859 : vector<16xi32>
          %and3A_861 = arith.constant 7 : i32
          %and3A_862 = vector.broadcast %and3A_861 : i32 to vector<16xi32>
          %and3A_863 = arith.andi %and3A_852, %and3A_862 : vector<16xi32>
          %gather3A_864 = tpu.vector_load_idx %arg5[%add3A_860, %and3A_863, %add3A_624] : memref<16x8x128xf32, #tpu.memory_space<vmem>>[vector<16xi32>, vector<16xi32>, vector<16xi32>], vector<16xf32>,
          %mul3A_865 = arith.constant 32 : i32
          %mul3A_866 = vector.broadcast %mul3A_865 : i32 to vector<16xi32>
          %mul3A_867 = arith.muli %add3A_628, %mul3A_866 : vector<16xi32>
          %add3A_868 = arith.addi %mul3A_867, %and3A_852 : vector<16xi32>
          %add3A_869 = arith.constant 11 : i32
          %add3A_870 = vector.broadcast %add3A_869 : i32 to vector<16xi32>
          %add3A_871 = arith.addi %add3A_870, %iota3A : vector<16xi32>
          %and3A_872 = arith.constant 31 : i32
          %and3A_873 = vector.broadcast %and3A_872 : i32 to vector<16xi32>
          %and3A_874 = arith.andi %add3A_871, %and3A_873 : vector<16xi32>
          %shift_right_arithmetic3A_875 = arith.constant 3 : i32
          %shift_right_arithmetic3A_876 = vector.broadcast %shift_right_arithmetic3A_875 : i32 to vector<16xi32>
          %shift_right_arithmetic3A_877 = arith.shrsi %and3A_874, %shift_right_arithmetic3A_876 : vector<16xi32>
          %mul3A_878 = arith.constant 4 : i32
          %mul3A_879 = vector.broadcast %mul3A_878 : i32 to vector<16xi32>
          %mul3A_880 = arith.muli %shift_right_arithmetic3A_877, %mul3A_879 : vector<16xi32>
          %add3A_881 = vector.broadcast %select_n3A : i32 to vector<16xi32>
          %add3A_882 = arith.addi %mul3A_880, %add3A_881 : vector<16xi32>
          %and3A_883 = arith.constant 7 : i32
          %and3A_884 = vector.broadcast %and3A_883 : i32 to vector<16xi32>
          %and3A_885 = arith.andi %and3A_874, %and3A_884 : vector<16xi32>
          %gather3A_886 = tpu.vector_load_idx %arg5[%add3A_882, %and3A_885, %add3A_624] : memref<16x8x128xf32, #tpu.memory_space<vmem>>[vector<16xi32>, vector<16xi32>, vector<16xi32>], vector<16xf32>,
          %mul3A_887 = arith.constant 32 : i32
          %mul3A_888 = vector.broadcast %mul3A_887 : i32 to vector<16xi32>
          %mul3A_889 = arith.muli %add3A_628, %mul3A_888 : vector<16xi32>
          %add3A_890 = arith.addi %mul3A_889, %and3A_874 : vector<16xi32>
          %add3A_891 = arith.constant 12 : i32
          %add3A_892 = vector.broadcast %add3A_891 : i32 to vector<16xi32>
          %add3A_893 = arith.addi %add3A_892, %iota3A : vector<16xi32>
          %and3A_894 = arith.constant 31 : i32
          %and3A_895 = vector.broadcast %and3A_894 : i32 to vector<16xi32>
          %and3A_896 = arith.andi %add3A_893, %and3A_895 : vector<16xi32>
          %shift_right_arithmetic3A_897 = arith.constant 3 : i32
          %shift_right_arithmetic3A_898 = vector.broadcast %shift_right_arithmetic3A_897 : i32 to vector<16xi32>
          %shift_right_arithmetic3A_899 = arith.shrsi %and3A_896, %shift_right_arithmetic3A_898 : vector<16xi32>
          %mul3A_900 = arith.constant 4 : i32
          %mul3A_901 = vector.broadcast %mul3A_900 : i32 to vector<16xi32>
          %mul3A_902 = arith.muli %shift_right_arithmetic3A_899, %mul3A_901 : vector<16xi32>
          %add3A_903 = vector.broadcast %select_n3A : i32 to vector<16xi32>
          %add3A_904 = arith.addi %mul3A_902, %add3A_903 : vector<16xi32>
          %and3A_905 = arith.constant 7 : i32
          %and3A_906 = vector.broadcast %and3A_905 : i32 to vector<16xi32>
          %and3A_907 = arith.andi %and3A_896, %and3A_906 : vector<16xi32>
          %gather3A_908 = tpu.vector_load_idx %arg5[%add3A_904, %and3A_907, %add3A_624] : memref<16x8x128xf32, #tpu.memory_space<vmem>>[vector<16xi32>, vector<16xi32>, vector<16xi32>], vector<16xf32>,
          %mul3A_909 = arith.constant 32 : i32
          %mul3A_910 = vector.broadcast %mul3A_909 : i32 to vector<16xi32>
          %mul3A_911 = arith.muli %add3A_628, %mul3A_910 : vector<16xi32>
          %add3A_912 = arith.addi %mul3A_911, %and3A_896 : vector<16xi32>
          %add3A_913 = arith.constant 13 : i32
          %add3A_914 = vector.broadcast %add3A_913 : i32 to vector<16xi32>
          %add3A_915 = arith.addi %add3A_914, %iota3A : vector<16xi32>
          %and3A_916 = arith.constant 31 : i32
          %and3A_917 = vector.broadcast %and3A_916 : i32 to vector<16xi32>
          %and3A_918 = arith.andi %add3A_915, %and3A_917 : vector<16xi32>
          %shift_right_arithmetic3A_919 = arith.constant 3 : i32
          %shift_right_arithmetic3A_920 = vector.broadcast %shift_right_arithmetic3A_919 : i32 to vector<16xi32>
          %shift_right_arithmetic3A_921 = arith.shrsi %and3A_918, %shift_right_arithmetic3A_920 : vector<16xi32>
          %mul3A_922 = arith.constant 4 : i32
          %mul3A_923 = vector.broadcast %mul3A_922 : i32 to vector<16xi32>
          %mul3A_924 = arith.muli %shift_right_arithmetic3A_921, %mul3A_923 : vector<16xi32>
          %add3A_925 = vector.broadcast %select_n3A : i32 to vector<16xi32>
          %add3A_926 = arith.addi %mul3A_924, %add3A_925 : vector<16xi32>
          %and3A_927 = arith.constant 7 : i32
          %and3A_928 = vector.broadcast %and3A_927 : i32 to vector<16xi32>
          %and3A_929 = arith.andi %and3A_918, %and3A_928 : vector<16xi32>
          %gather3A_930 = tpu.vector_load_idx %arg5[%add3A_926, %and3A_929, %add3A_624] : memref<16x8x128xf32, #tpu.memory_space<vmem>>[vector<16xi32>, vector<16xi32>, vector<16xi32>], vector<16xf32>,
          %mul3A_931 = arith.constant 32 : i32
          %mul3A_932 = vector.broadcast %mul3A_931 : i32 to vector<16xi32>
          %mul3A_933 = arith.muli %add3A_628, %mul3A_932 : vector<16xi32>
          %add3A_934 = arith.addi %mul3A_933, %and3A_918 : vector<16xi32>
          %add3A_935 = arith.constant 14 : i32
          %add3A_936 = vector.broadcast %add3A_935 : i32 to vector<16xi32>
          %add3A_937 = arith.addi %add3A_936, %iota3A : vector<16xi32>
          %and3A_938 = arith.constant 31 : i32
          %and3A_939 = vector.broadcast %and3A_938 : i32 to vector<16xi32>
          %and3A_940 = arith.andi %add3A_937, %and3A_939 : vector<16xi32>
          %shift_right_arithmetic3A_941 = arith.constant 3 : i32
          %shift_right_arithmetic3A_942 = vector.broadcast %shift_right_arithmetic3A_941 : i32 to vector<16xi32>
          %shift_right_arithmetic3A_943 = arith.shrsi %and3A_940, %shift_right_arithmetic3A_942 : vector<16xi32>
          %mul3A_944 = arith.constant 4 : i32
          %mul3A_945 = vector.broadcast %mul3A_944 : i32 to vector<16xi32>
          %mul3A_946 = arith.muli %shift_right_arithmetic3A_943, %mul3A_945 : vector<16xi32>
          %add3A_947 = vector.broadcast %select_n3A : i32 to vector<16xi32>
          %add3A_948 = arith.addi %mul3A_946, %add3A_947 : vector<16xi32>
          %and3A_949 = arith.constant 7 : i32
          %and3A_950 = vector.broadcast %and3A_949 : i32 to vector<16xi32>
          %and3A_951 = arith.andi %and3A_940, %and3A_950 : vector<16xi32>
          %gather3A_952 = tpu.vector_load_idx %arg5[%add3A_948, %and3A_951, %add3A_624] : memref<16x8x128xf32, #tpu.memory_space<vmem>>[vector<16xi32>, vector<16xi32>, vector<16xi32>], vector<16xf32>,
          %mul3A_953 = arith.constant 32 : i32
          %mul3A_954 = vector.broadcast %mul3A_953 : i32 to vector<16xi32>
          %mul3A_955 = arith.muli %add3A_628, %mul3A_954 : vector<16xi32>
          %add3A_956 = arith.addi %mul3A_955, %and3A_940 : vector<16xi32>
          %add3A_957 = arith.constant 15 : i32
          %add3A_958 = vector.broadcast %add3A_957 : i32 to vector<16xi32>
          %add3A_959 = arith.addi %add3A_958, %iota3A : vector<16xi32>
          %and3A_960 = arith.constant 31 : i32
          %and3A_961 = vector.broadcast %and3A_960 : i32 to vector<16xi32>
          %and3A_962 = arith.andi %add3A_959, %and3A_961 : vector<16xi32>
          %shift_right_arithmetic3A_963 = arith.constant 3 : i32
          %shift_right_arithmetic3A_964 = vector.broadcast %shift_right_arithmetic3A_963 : i32 to vector<16xi32>
          %shift_right_arithmetic3A_965 = arith.shrsi %and3A_962, %shift_right_arithmetic3A_964 : vector<16xi32>
          %mul3A_966 = arith.constant 4 : i32
          %mul3A_967 = vector.broadcast %mul3A_966 : i32 to vector<16xi32>
          %mul3A_968 = arith.muli %shift_right_arithmetic3A_965, %mul3A_967 : vector<16xi32>
          %add3A_969 = vector.broadcast %select_n3A : i32 to vector<16xi32>
          %add3A_970 = arith.addi %mul3A_968, %add3A_969 : vector<16xi32>
          %and3A_971 = arith.constant 7 : i32
          %and3A_972 = vector.broadcast %and3A_971 : i32 to vector<16xi32>
          %and3A_973 = arith.andi %and3A_962, %and3A_972 : vector<16xi32>
          %gather3A_974 = tpu.vector_load_idx %arg5[%add3A_970, %and3A_973, %add3A_624] : memref<16x8x128xf32, #tpu.memory_space<vmem>>[vector<16xi32>, vector<16xi32>, vector<16xi32>], vector<16xf32>,
          %mul3A_975 = arith.constant 32 : i32
          %mul3A_976 = vector.broadcast %mul3A_975 : i32 to vector<16xi32>
          %mul3A_977 = arith.muli %add3A_628, %mul3A_976 : vector<16xi32>
          %add3A_978 = arith.addi %mul3A_977, %and3A_962 : vector<16xi32>
          tpu.vector_store_idx %arg6[%add3A_824], %gather3A_820 : memref<16384xf32, #tpu.memory_space<vmem>>[vector<16xi32>], vector<16xf32>,
          tpu.vector_store_idx %arg6[%add3A_846], %gather3A_842 : memref<16384xf32, #tpu.memory_space<vmem>>[vector<16xi32>], vector<16xf32>,
          tpu.vector_store_idx %arg6[%add3A_868], %gather3A_864 : memref<16384xf32, #tpu.memory_space<vmem>>[vector<16xi32>], vector<16xf32>,
          tpu.vector_store_idx %arg6[%add3A_890], %gather3A_886 : memref<16384xf32, #tpu.memory_space<vmem>>[vector<16xi32>], vector<16xf32>,
          tpu.vector_store_idx %arg6[%add3A_912], %gather3A_908 : memref<16384xf32, #tpu.memory_space<vmem>>[vector<16xi32>], vector<16xf32>,
          tpu.vector_store_idx %arg6[%add3A_934], %gather3A_930 : memref<16384xf32, #tpu.memory_space<vmem>>[vector<16xi32>], vector<16xf32>,
          tpu.vector_store_idx %arg6[%add3A_956], %gather3A_952 : memref<16384xf32, #tpu.memory_space<vmem>>[vector<16xi32>], vector<16xf32>,
          tpu.vector_store_idx %arg6[%add3A_978], %gather3A_974 : memref<16384xf32, #tpu.memory_space<vmem>>[vector<16xi32>], vector<16xf32>,
          %add3A_979 = arith.constant 16 : i32
          %add3A_980 = vector.broadcast %add3A_979 : i32 to vector<16xi32>
          %add3A_981 = arith.addi %add3A_980, %iota3A : vector<16xi32>
          %and3A_982 = arith.constant 31 : i32
          %and3A_983 = vector.broadcast %and3A_982 : i32 to vector<16xi32>
          %and3A_984 = arith.andi %add3A_981, %and3A_983 : vector<16xi32>
          %shift_right_arithmetic3A_985 = arith.constant 3 : i32
          %shift_right_arithmetic3A_986 = vector.broadcast %shift_right_arithmetic3A_985 : i32 to vector<16xi32>
          %shift_right_arithmetic3A_987 = arith.shrsi %and3A_984, %shift_right_arithmetic3A_986 : vector<16xi32>
          %mul3A_988 = arith.constant 4 : i32
          %mul3A_989 = vector.broadcast %mul3A_988 : i32 to vector<16xi32>
          %mul3A_990 = arith.muli %shift_right_arithmetic3A_987, %mul3A_989 : vector<16xi32>
          %add3A_991 = vector.broadcast %select_n3A : i32 to vector<16xi32>
          %add3A_992 = arith.addi %mul3A_990, %add3A_991 : vector<16xi32>
          %and3A_993 = arith.constant 7 : i32
          %and3A_994 = vector.broadcast %and3A_993 : i32 to vector<16xi32>
          %and3A_995 = arith.andi %and3A_984, %and3A_994 : vector<16xi32>
          %gather3A_996 = tpu.vector_load_idx %arg5[%add3A_992, %and3A_995, %add3A_624] : memref<16x8x128xf32, #tpu.memory_space<vmem>>[vector<16xi32>, vector<16xi32>, vector<16xi32>], vector<16xf32>,
          %mul3A_997 = arith.constant 32 : i32
          %mul3A_998 = vector.broadcast %mul3A_997 : i32 to vector<16xi32>
          %mul3A_999 = arith.muli %add3A_628, %mul3A_998 : vector<16xi32>
          %add3A_1000 = arith.addi %mul3A_999, %and3A_984 : vector<16xi32>
          %add3A_1001 = arith.constant 17 : i32
          %add3A_1002 = vector.broadcast %add3A_1001 : i32 to vector<16xi32>
          %add3A_1003 = arith.addi %add3A_1002, %iota3A : vector<16xi32>
          %and3A_1004 = arith.constant 31 : i32
          %and3A_1005 = vector.broadcast %and3A_1004 : i32 to vector<16xi32>
          %and3A_1006 = arith.andi %add3A_1003, %and3A_1005 : vector<16xi32>
          %shift_right_arithmetic3A_1007 = arith.constant 3 : i32
          %shift_right_arithmetic3A_1008 = vector.broadcast %shift_right_arithmetic3A_1007 : i32 to vector<16xi32>
          %shift_right_arithmetic3A_1009 = arith.shrsi %and3A_1006, %shift_right_arithmetic3A_1008 : vector<16xi32>
          %mul3A_1010 = arith.constant 4 : i32
          %mul3A_1011 = vector.broadcast %mul3A_1010 : i32 to vector<16xi32>
          %mul3A_1012 = arith.muli %shift_right_arithmetic3A_1009, %mul3A_1011 : vector<16xi32>
          %add3A_1013 = vector.broadcast %select_n3A : i32 to vector<16xi32>
          %add3A_1014 = arith.addi %mul3A_1012, %add3A_1013 : vector<16xi32>
          %and3A_1015 = arith.constant 7 : i32
          %and3A_1016 = vector.broadcast %and3A_1015 : i32 to vector<16xi32>
          %and3A_1017 = arith.andi %and3A_1006, %and3A_1016 : vector<16xi32>
          %gather3A_1018 = tpu.vector_load_idx %arg5[%add3A_1014, %and3A_1017, %add3A_624] : memref<16x8x128xf32, #tpu.memory_space<vmem>>[vector<16xi32>, vector<16xi32>, vector<16xi32>], vector<16xf32>,
          %mul3A_1019 = arith.constant 32 : i32
          %mul3A_1020 = vector.broadcast %mul3A_1019 : i32 to vector<16xi32>
          %mul3A_1021 = arith.muli %add3A_628, %mul3A_1020 : vector<16xi32>
          %add3A_1022 = arith.addi %mul3A_1021, %and3A_1006 : vector<16xi32>
          %add3A_1023 = arith.constant 18 : i32
          %add3A_1024 = vector.broadcast %add3A_1023 : i32 to vector<16xi32>
          %add3A_1025 = arith.addi %add3A_1024, %iota3A : vector<16xi32>
          %and3A_1026 = arith.constant 31 : i32
          %and3A_1027 = vector.broadcast %and3A_1026 : i32 to vector<16xi32>
          %and3A_1028 = arith.andi %add3A_1025, %and3A_1027 : vector<16xi32>
          %shift_right_arithmetic3A_1029 = arith.constant 3 : i32
          %shift_right_arithmetic3A_1030 = vector.broadcast %shift_right_arithmetic3A_1029 : i32 to vector<16xi32>
          %shift_right_arithmetic3A_1031 = arith.shrsi %and3A_1028, %shift_right_arithmetic3A_1030 : vector<16xi32>
          %mul3A_1032 = arith.constant 4 : i32
          %mul3A_1033 = vector.broadcast %mul3A_1032 : i32 to vector<16xi32>
          %mul3A_1034 = arith.muli %shift_right_arithmetic3A_1031, %mul3A_1033 : vector<16xi32>
          %add3A_1035 = vector.broadcast %select_n3A : i32 to vector<16xi32>
          %add3A_1036 = arith.addi %mul3A_1034, %add3A_1035 : vector<16xi32>
          %and3A_1037 = arith.constant 7 : i32
          %and3A_1038 = vector.broadcast %and3A_1037 : i32 to vector<16xi32>
          %and3A_1039 = arith.andi %and3A_1028, %and3A_1038 : vector<16xi32>
          %gather3A_1040 = tpu.vector_load_idx %arg5[%add3A_1036, %and3A_1039, %add3A_624] : memref<16x8x128xf32, #tpu.memory_space<vmem>>[vector<16xi32>, vector<16xi32>, vector<16xi32>], vector<16xf32>,
          %mul3A_1041 = arith.constant 32 : i32
          %mul3A_1042 = vector.broadcast %mul3A_1041 : i32 to vector<16xi32>
          %mul3A_1043 = arith.muli %add3A_628, %mul3A_1042 : vector<16xi32>
          %add3A_1044 = arith.addi %mul3A_1043, %and3A_1028 : vector<16xi32>
          %add3A_1045 = arith.constant 19 : i32
          %add3A_1046 = vector.broadcast %add3A_1045 : i32 to vector<16xi32>
          %add3A_1047 = arith.addi %add3A_1046, %iota3A : vector<16xi32>
          %and3A_1048 = arith.constant 31 : i32
          %and3A_1049 = vector.broadcast %and3A_1048 : i32 to vector<16xi32>
          %and3A_1050 = arith.andi %add3A_1047, %and3A_1049 : vector<16xi32>
          %shift_right_arithmetic3A_1051 = arith.constant 3 : i32
          %shift_right_arithmetic3A_1052 = vector.broadcast %shift_right_arithmetic3A_1051 : i32 to vector<16xi32>
          %shift_right_arithmetic3A_1053 = arith.shrsi %and3A_1050, %shift_right_arithmetic3A_1052 : vector<16xi32>
          %mul3A_1054 = arith.constant 4 : i32
          %mul3A_1055 = vector.broadcast %mul3A_1054 : i32 to vector<16xi32>
          %mul3A_1056 = arith.muli %shift_right_arithmetic3A_1053, %mul3A_1055 : vector<16xi32>
          %add3A_1057 = vector.broadcast %select_n3A : i32 to vector<16xi32>
          %add3A_1058 = arith.addi %mul3A_1056, %add3A_1057 : vector<16xi32>
          %and3A_1059 = arith.constant 7 : i32
          %and3A_1060 = vector.broadcast %and3A_1059 : i32 to vector<16xi32>
          %and3A_1061 = arith.andi %and3A_1050, %and3A_1060 : vector<16xi32>
          %gather3A_1062 = tpu.vector_load_idx %arg5[%add3A_1058, %and3A_1061, %add3A_624] : memref<16x8x128xf32, #tpu.memory_space<vmem>>[vector<16xi32>, vector<16xi32>, vector<16xi32>], vector<16xf32>,
          %mul3A_1063 = arith.constant 32 : i32
          %mul3A_1064 = vector.broadcast %mul3A_1063 : i32 to vector<16xi32>
          %mul3A_1065 = arith.muli %add3A_628, %mul3A_1064 : vector<16xi32>
          %add3A_1066 = arith.addi %mul3A_1065, %and3A_1050 : vector<16xi32>
          %add3A_1067 = arith.constant 20 : i32
          %add3A_1068 = vector.broadcast %add3A_1067 : i32 to vector<16xi32>
          %add3A_1069 = arith.addi %add3A_1068, %iota3A : vector<16xi32>
          %and3A_1070 = arith.constant 31 : i32
          %and3A_1071 = vector.broadcast %and3A_1070 : i32 to vector<16xi32>
          %and3A_1072 = arith.andi %add3A_1069, %and3A_1071 : vector<16xi32>
          %shift_right_arithmetic3A_1073 = arith.constant 3 : i32
          %shift_right_arithmetic3A_1074 = vector.broadcast %shift_right_arithmetic3A_1073 : i32 to vector<16xi32>
          %shift_right_arithmetic3A_1075 = arith.shrsi %and3A_1072, %shift_right_arithmetic3A_1074 : vector<16xi32>
          %mul3A_1076 = arith.constant 4 : i32
          %mul3A_1077 = vector.broadcast %mul3A_1076 : i32 to vector<16xi32>
          %mul3A_1078 = arith.muli %shift_right_arithmetic3A_1075, %mul3A_1077 : vector<16xi32>
          %add3A_1079 = vector.broadcast %select_n3A : i32 to vector<16xi32>
          %add3A_1080 = arith.addi %mul3A_1078, %add3A_1079 : vector<16xi32>
          %and3A_1081 = arith.constant 7 : i32
          %and3A_1082 = vector.broadcast %and3A_1081 : i32 to vector<16xi32>
          %and3A_1083 = arith.andi %and3A_1072, %and3A_1082 : vector<16xi32>
          %gather3A_1084 = tpu.vector_load_idx %arg5[%add3A_1080, %and3A_1083, %add3A_624] : memref<16x8x128xf32, #tpu.memory_space<vmem>>[vector<16xi32>, vector<16xi32>, vector<16xi32>], vector<16xf32>,
          %mul3A_1085 = arith.constant 32 : i32
          %mul3A_1086 = vector.broadcast %mul3A_1085 : i32 to vector<16xi32>
          %mul3A_1087 = arith.muli %add3A_628, %mul3A_1086 : vector<16xi32>
          %add3A_1088 = arith.addi %mul3A_1087, %and3A_1072 : vector<16xi32>
          %add3A_1089 = arith.constant 21 : i32
          %add3A_1090 = vector.broadcast %add3A_1089 : i32 to vector<16xi32>
          %add3A_1091 = arith.addi %add3A_1090, %iota3A : vector<16xi32>
          %and3A_1092 = arith.constant 31 : i32
          %and3A_1093 = vector.broadcast %and3A_1092 : i32 to vector<16xi32>
          %and3A_1094 = arith.andi %add3A_1091, %and3A_1093 : vector<16xi32>
          %shift_right_arithmetic3A_1095 = arith.constant 3 : i32
          %shift_right_arithmetic3A_1096 = vector.broadcast %shift_right_arithmetic3A_1095 : i32 to vector<16xi32>
          %shift_right_arithmetic3A_1097 = arith.shrsi %and3A_1094, %shift_right_arithmetic3A_1096 : vector<16xi32>
          %mul3A_1098 = arith.constant 4 : i32
          %mul3A_1099 = vector.broadcast %mul3A_1098 : i32 to vector<16xi32>
          %mul3A_1100 = arith.muli %shift_right_arithmetic3A_1097, %mul3A_1099 : vector<16xi32>
          %add3A_1101 = vector.broadcast %select_n3A : i32 to vector<16xi32>
          %add3A_1102 = arith.addi %mul3A_1100, %add3A_1101 : vector<16xi32>
          %and3A_1103 = arith.constant 7 : i32
          %and3A_1104 = vector.broadcast %and3A_1103 : i32 to vector<16xi32>
          %and3A_1105 = arith.andi %and3A_1094, %and3A_1104 : vector<16xi32>
          %gather3A_1106 = tpu.vector_load_idx %arg5[%add3A_1102, %and3A_1105, %add3A_624] : memref<16x8x128xf32, #tpu.memory_space<vmem>>[vector<16xi32>, vector<16xi32>, vector<16xi32>], vector<16xf32>,
          %mul3A_1107 = arith.constant 32 : i32
          %mul3A_1108 = vector.broadcast %mul3A_1107 : i32 to vector<16xi32>
          %mul3A_1109 = arith.muli %add3A_628, %mul3A_1108 : vector<16xi32>
          %add3A_1110 = arith.addi %mul3A_1109, %and3A_1094 : vector<16xi32>
          %add3A_1111 = arith.constant 22 : i32
          %add3A_1112 = vector.broadcast %add3A_1111 : i32 to vector<16xi32>
          %add3A_1113 = arith.addi %add3A_1112, %iota3A : vector<16xi32>
          %and3A_1114 = arith.constant 31 : i32
          %and3A_1115 = vector.broadcast %and3A_1114 : i32 to vector<16xi32>
          %and3A_1116 = arith.andi %add3A_1113, %and3A_1115 : vector<16xi32>
          %shift_right_arithmetic3A_1117 = arith.constant 3 : i32
          %shift_right_arithmetic3A_1118 = vector.broadcast %shift_right_arithmetic3A_1117 : i32 to vector<16xi32>
          %shift_right_arithmetic3A_1119 = arith.shrsi %and3A_1116, %shift_right_arithmetic3A_1118 : vector<16xi32>
          %mul3A_1120 = arith.constant 4 : i32
          %mul3A_1121 = vector.broadcast %mul3A_1120 : i32 to vector<16xi32>
          %mul3A_1122 = arith.muli %shift_right_arithmetic3A_1119, %mul3A_1121 : vector<16xi32>
          %add3A_1123 = vector.broadcast %select_n3A : i32 to vector<16xi32>
          %add3A_1124 = arith.addi %mul3A_1122, %add3A_1123 : vector<16xi32>
          %and3A_1125 = arith.constant 7 : i32
          %and3A_1126 = vector.broadcast %and3A_1125 : i32 to vector<16xi32>
          %and3A_1127 = arith.andi %and3A_1116, %and3A_1126 : vector<16xi32>
          %gather3A_1128 = tpu.vector_load_idx %arg5[%add3A_1124, %and3A_1127, %add3A_624] : memref<16x8x128xf32, #tpu.memory_space<vmem>>[vector<16xi32>, vector<16xi32>, vector<16xi32>], vector<16xf32>,
          %mul3A_1129 = arith.constant 32 : i32
          %mul3A_1130 = vector.broadcast %mul3A_1129 : i32 to vector<16xi32>
          %mul3A_1131 = arith.muli %add3A_628, %mul3A_1130 : vector<16xi32>
          %add3A_1132 = arith.addi %mul3A_1131, %and3A_1116 : vector<16xi32>
          %add3A_1133 = arith.constant 23 : i32
          %add3A_1134 = vector.broadcast %add3A_1133 : i32 to vector<16xi32>
          %add3A_1135 = arith.addi %add3A_1134, %iota3A : vector<16xi32>
          %and3A_1136 = arith.constant 31 : i32
          %and3A_1137 = vector.broadcast %and3A_1136 : i32 to vector<16xi32>
          %and3A_1138 = arith.andi %add3A_1135, %and3A_1137 : vector<16xi32>
          %shift_right_arithmetic3A_1139 = arith.constant 3 : i32
          %shift_right_arithmetic3A_1140 = vector.broadcast %shift_right_arithmetic3A_1139 : i32 to vector<16xi32>
          %shift_right_arithmetic3A_1141 = arith.shrsi %and3A_1138, %shift_right_arithmetic3A_1140 : vector<16xi32>
          %mul3A_1142 = arith.constant 4 : i32
          %mul3A_1143 = vector.broadcast %mul3A_1142 : i32 to vector<16xi32>
          %mul3A_1144 = arith.muli %shift_right_arithmetic3A_1141, %mul3A_1143 : vector<16xi32>
          %add3A_1145 = vector.broadcast %select_n3A : i32 to vector<16xi32>
          %add3A_1146 = arith.addi %mul3A_1144, %add3A_1145 : vector<16xi32>
          %and3A_1147 = arith.constant 7 : i32
          %and3A_1148 = vector.broadcast %and3A_1147 : i32 to vector<16xi32>
          %and3A_1149 = arith.andi %and3A_1138, %and3A_1148 : vector<16xi32>
          %gather3A_1150 = tpu.vector_load_idx %arg5[%add3A_1146, %and3A_1149, %add3A_624] : memref<16x8x128xf32, #tpu.memory_space<vmem>>[vector<16xi32>, vector<16xi32>, vector<16xi32>], vector<16xf32>,
          %mul3A_1151 = arith.constant 32 : i32
          %mul3A_1152 = vector.broadcast %mul3A_1151 : i32 to vector<16xi32>
          %mul3A_1153 = arith.muli %add3A_628, %mul3A_1152 : vector<16xi32>
          %add3A_1154 = arith.addi %mul3A_1153, %and3A_1138 : vector<16xi32>
          tpu.vector_store_idx %arg6[%add3A_1000], %gather3A_996 : memref<16384xf32, #tpu.memory_space<vmem>>[vector<16xi32>], vector<16xf32>,
          tpu.vector_store_idx %arg6[%add3A_1022], %gather3A_1018 : memref<16384xf32, #tpu.memory_space<vmem>>[vector<16xi32>], vector<16xf32>,
          tpu.vector_store_idx %arg6[%add3A_1044], %gather3A_1040 : memref<16384xf32, #tpu.memory_space<vmem>>[vector<16xi32>], vector<16xf32>,
          tpu.vector_store_idx %arg6[%add3A_1066], %gather3A_1062 : memref<16384xf32, #tpu.memory_space<vmem>>[vector<16xi32>], vector<16xf32>,
          tpu.vector_store_idx %arg6[%add3A_1088], %gather3A_1084 : memref<16384xf32, #tpu.memory_space<vmem>>[vector<16xi32>], vector<16xf32>,
          tpu.vector_store_idx %arg6[%add3A_1110], %gather3A_1106 : memref<16384xf32, #tpu.memory_space<vmem>>[vector<16xi32>], vector<16xf32>,
          tpu.vector_store_idx %arg6[%add3A_1132], %gather3A_1128 : memref<16384xf32, #tpu.memory_space<vmem>>[vector<16xi32>], vector<16xf32>,
          tpu.vector_store_idx %arg6[%add3A_1154], %gather3A_1150 : memref<16384xf32, #tpu.memory_space<vmem>>[vector<16xi32>], vector<16xf32>,
          %add3A_1155 = arith.constant 24 : i32
          %add3A_1156 = vector.broadcast %add3A_1155 : i32 to vector<16xi32>
          %add3A_1157 = arith.addi %add3A_1156, %iota3A : vector<16xi32>
          %and3A_1158 = arith.constant 31 : i32
          %and3A_1159 = vector.broadcast %and3A_1158 : i32 to vector<16xi32>
          %and3A_1160 = arith.andi %add3A_1157, %and3A_1159 : vector<16xi32>
          %shift_right_arithmetic3A_1161 = arith.constant 3 : i32
          %shift_right_arithmetic3A_1162 = vector.broadcast %shift_right_arithmetic3A_1161 : i32 to vector<16xi32>
          %shift_right_arithmetic3A_1163 = arith.shrsi %and3A_1160, %shift_right_arithmetic3A_1162 : vector<16xi32>
          %mul3A_1164 = arith.constant 4 : i32
          %mul3A_1165 = vector.broadcast %mul3A_1164 : i32 to vector<16xi32>
          %mul3A_1166 = arith.muli %shift_right_arithmetic3A_1163, %mul3A_1165 : vector<16xi32>
          %add3A_1167 = vector.broadcast %select_n3A : i32 to vector<16xi32>
          %add3A_1168 = arith.addi %mul3A_1166, %add3A_1167 : vector<16xi32>
          %and3A_1169 = arith.constant 7 : i32
          %and3A_1170 = vector.broadcast %and3A_1169 : i32 to vector<16xi32>
          %and3A_1171 = arith.andi %and3A_1160, %and3A_1170 : vector<16xi32>
          %gather3A_1172 = tpu.vector_load_idx %arg5[%add3A_1168, %and3A_1171, %add3A_624] : memref<16x8x128xf32, #tpu.memory_space<vmem>>[vector<16xi32>, vector<16xi32>, vector<16xi32>], vector<16xf32>,
          %mul3A_1173 = arith.constant 32 : i32
          %mul3A_1174 = vector.broadcast %mul3A_1173 : i32 to vector<16xi32>
          %mul3A_1175 = arith.muli %add3A_628, %mul3A_1174 : vector<16xi32>
          %add3A_1176 = arith.addi %mul3A_1175, %and3A_1160 : vector<16xi32>
          %add3A_1177 = arith.constant 25 : i32
          %add3A_1178 = vector.broadcast %add3A_1177 : i32 to vector<16xi32>
          %add3A_1179 = arith.addi %add3A_1178, %iota3A : vector<16xi32>
          %and3A_1180 = arith.constant 31 : i32
          %and3A_1181 = vector.broadcast %and3A_1180 : i32 to vector<16xi32>
          %and3A_1182 = arith.andi %add3A_1179, %and3A_1181 : vector<16xi32>
          %shift_right_arithmetic3A_1183 = arith.constant 3 : i32
          %shift_right_arithmetic3A_1184 = vector.broadcast %shift_right_arithmetic3A_1183 : i32 to vector<16xi32>
          %shift_right_arithmetic3A_1185 = arith.shrsi %and3A_1182, %shift_right_arithmetic3A_1184 : vector<16xi32>
          %mul3A_1186 = arith.constant 4 : i32
          %mul3A_1187 = vector.broadcast %mul3A_1186 : i32 to vector<16xi32>
          %mul3A_1188 = arith.muli %shift_right_arithmetic3A_1185, %mul3A_1187 : vector<16xi32>
          %add3A_1189 = vector.broadcast %select_n3A : i32 to vector<16xi32>
          %add3A_1190 = arith.addi %mul3A_1188, %add3A_1189 : vector<16xi32>
          %and3A_1191 = arith.constant 7 : i32
          %and3A_1192 = vector.broadcast %and3A_1191 : i32 to vector<16xi32>
          %and3A_1193 = arith.andi %and3A_1182, %and3A_1192 : vector<16xi32>
          %gather3A_1194 = tpu.vector_load_idx %arg5[%add3A_1190, %and3A_1193, %add3A_624] : memref<16x8x128xf32, #tpu.memory_space<vmem>>[vector<16xi32>, vector<16xi32>, vector<16xi32>], vector<16xf32>,
          %mul3A_1195 = arith.constant 32 : i32
          %mul3A_1196 = vector.broadcast %mul3A_1195 : i32 to vector<16xi32>
          %mul3A_1197 = arith.muli %add3A_628, %mul3A_1196 : vector<16xi32>
          %add3A_1198 = arith.addi %mul3A_1197, %and3A_1182 : vector<16xi32>
          %add3A_1199 = arith.constant 26 : i32
          %add3A_1200 = vector.broadcast %add3A_1199 : i32 to vector<16xi32>
          %add3A_1201 = arith.addi %add3A_1200, %iota3A : vector<16xi32>
          %and3A_1202 = arith.constant 31 : i32
          %and3A_1203 = vector.broadcast %and3A_1202 : i32 to vector<16xi32>
          %and3A_1204 = arith.andi %add3A_1201, %and3A_1203 : vector<16xi32>
          %shift_right_arithmetic3A_1205 = arith.constant 3 : i32
          %shift_right_arithmetic3A_1206 = vector.broadcast %shift_right_arithmetic3A_1205 : i32 to vector<16xi32>
          %shift_right_arithmetic3A_1207 = arith.shrsi %and3A_1204, %shift_right_arithmetic3A_1206 : vector<16xi32>
          %mul3A_1208 = arith.constant 4 : i32
          %mul3A_1209 = vector.broadcast %mul3A_1208 : i32 to vector<16xi32>
          %mul3A_1210 = arith.muli %shift_right_arithmetic3A_1207, %mul3A_1209 : vector<16xi32>
          %add3A_1211 = vector.broadcast %select_n3A : i32 to vector<16xi32>
          %add3A_1212 = arith.addi %mul3A_1210, %add3A_1211 : vector<16xi32>
          %and3A_1213 = arith.constant 7 : i32
          %and3A_1214 = vector.broadcast %and3A_1213 : i32 to vector<16xi32>
          %and3A_1215 = arith.andi %and3A_1204, %and3A_1214 : vector<16xi32>
          %gather3A_1216 = tpu.vector_load_idx %arg5[%add3A_1212, %and3A_1215, %add3A_624] : memref<16x8x128xf32, #tpu.memory_space<vmem>>[vector<16xi32>, vector<16xi32>, vector<16xi32>], vector<16xf32>,
          %mul3A_1217 = arith.constant 32 : i32
          %mul3A_1218 = vector.broadcast %mul3A_1217 : i32 to vector<16xi32>
          %mul3A_1219 = arith.muli %add3A_628, %mul3A_1218 : vector<16xi32>
          %add3A_1220 = arith.addi %mul3A_1219, %and3A_1204 : vector<16xi32>
          %add3A_1221 = arith.constant 27 : i32
          %add3A_1222 = vector.broadcast %add3A_1221 : i32 to vector<16xi32>
          %add3A_1223 = arith.addi %add3A_1222, %iota3A : vector<16xi32>
          %and3A_1224 = arith.constant 31 : i32
          %and3A_1225 = vector.broadcast %and3A_1224 : i32 to vector<16xi32>
          %and3A_1226 = arith.andi %add3A_1223, %and3A_1225 : vector<16xi32>
          %shift_right_arithmetic3A_1227 = arith.constant 3 : i32
          %shift_right_arithmetic3A_1228 = vector.broadcast %shift_right_arithmetic3A_1227 : i32 to vector<16xi32>
          %shift_right_arithmetic3A_1229 = arith.shrsi %and3A_1226, %shift_right_arithmetic3A_1228 : vector<16xi32>
          %mul3A_1230 = arith.constant 4 : i32
          %mul3A_1231 = vector.broadcast %mul3A_1230 : i32 to vector<16xi32>
          %mul3A_1232 = arith.muli %shift_right_arithmetic3A_1229, %mul3A_1231 : vector<16xi32>
          %add3A_1233 = vector.broadcast %select_n3A : i32 to vector<16xi32>
          %add3A_1234 = arith.addi %mul3A_1232, %add3A_1233 : vector<16xi32>
          %and3A_1235 = arith.constant 7 : i32
          %and3A_1236 = vector.broadcast %and3A_1235 : i32 to vector<16xi32>
          %and3A_1237 = arith.andi %and3A_1226, %and3A_1236 : vector<16xi32>
          %gather3A_1238 = tpu.vector_load_idx %arg5[%add3A_1234, %and3A_1237, %add3A_624] : memref<16x8x128xf32, #tpu.memory_space<vmem>>[vector<16xi32>, vector<16xi32>, vector<16xi32>], vector<16xf32>,
          %mul3A_1239 = arith.constant 32 : i32
          %mul3A_1240 = vector.broadcast %mul3A_1239 : i32 to vector<16xi32>
          %mul3A_1241 = arith.muli %add3A_628, %mul3A_1240 : vector<16xi32>
          %add3A_1242 = arith.addi %mul3A_1241, %and3A_1226 : vector<16xi32>
          %add3A_1243 = arith.constant 28 : i32
          %add3A_1244 = vector.broadcast %add3A_1243 : i32 to vector<16xi32>
          %add3A_1245 = arith.addi %add3A_1244, %iota3A : vector<16xi32>
          %and3A_1246 = arith.constant 31 : i32
          %and3A_1247 = vector.broadcast %and3A_1246 : i32 to vector<16xi32>
          %and3A_1248 = arith.andi %add3A_1245, %and3A_1247 : vector<16xi32>
          %shift_right_arithmetic3A_1249 = arith.constant 3 : i32
          %shift_right_arithmetic3A_1250 = vector.broadcast %shift_right_arithmetic3A_1249 : i32 to vector<16xi32>
          %shift_right_arithmetic3A_1251 = arith.shrsi %and3A_1248, %shift_right_arithmetic3A_1250 : vector<16xi32>
          %mul3A_1252 = arith.constant 4 : i32
          %mul3A_1253 = vector.broadcast %mul3A_1252 : i32 to vector<16xi32>
          %mul3A_1254 = arith.muli %shift_right_arithmetic3A_1251, %mul3A_1253 : vector<16xi32>
          %add3A_1255 = vector.broadcast %select_n3A : i32 to vector<16xi32>
          %add3A_1256 = arith.addi %mul3A_1254, %add3A_1255 : vector<16xi32>
          %and3A_1257 = arith.constant 7 : i32
          %and3A_1258 = vector.broadcast %and3A_1257 : i32 to vector<16xi32>
          %and3A_1259 = arith.andi %and3A_1248, %and3A_1258 : vector<16xi32>
          %gather3A_1260 = tpu.vector_load_idx %arg5[%add3A_1256, %and3A_1259, %add3A_624] : memref<16x8x128xf32, #tpu.memory_space<vmem>>[vector<16xi32>, vector<16xi32>, vector<16xi32>], vector<16xf32>,
          %mul3A_1261 = arith.constant 32 : i32
          %mul3A_1262 = vector.broadcast %mul3A_1261 : i32 to vector<16xi32>
          %mul3A_1263 = arith.muli %add3A_628, %mul3A_1262 : vector<16xi32>
          %add3A_1264 = arith.addi %mul3A_1263, %and3A_1248 : vector<16xi32>
          %add3A_1265 = arith.constant 29 : i32
          %add3A_1266 = vector.broadcast %add3A_1265 : i32 to vector<16xi32>
          %add3A_1267 = arith.addi %add3A_1266, %iota3A : vector<16xi32>
          %and3A_1268 = arith.constant 31 : i32
          %and3A_1269 = vector.broadcast %and3A_1268 : i32 to vector<16xi32>
          %and3A_1270 = arith.andi %add3A_1267, %and3A_1269 : vector<16xi32>
          %shift_right_arithmetic3A_1271 = arith.constant 3 : i32
          %shift_right_arithmetic3A_1272 = vector.broadcast %shift_right_arithmetic3A_1271 : i32 to vector<16xi32>
          %shift_right_arithmetic3A_1273 = arith.shrsi %and3A_1270, %shift_right_arithmetic3A_1272 : vector<16xi32>
          %mul3A_1274 = arith.constant 4 : i32
          %mul3A_1275 = vector.broadcast %mul3A_1274 : i32 to vector<16xi32>
          %mul3A_1276 = arith.muli %shift_right_arithmetic3A_1273, %mul3A_1275 : vector<16xi32>
          %add3A_1277 = vector.broadcast %select_n3A : i32 to vector<16xi32>
          %add3A_1278 = arith.addi %mul3A_1276, %add3A_1277 : vector<16xi32>
          %and3A_1279 = arith.constant 7 : i32
          %and3A_1280 = vector.broadcast %and3A_1279 : i32 to vector<16xi32>
          %and3A_1281 = arith.andi %and3A_1270, %and3A_1280 : vector<16xi32>
          %gather3A_1282 = tpu.vector_load_idx %arg5[%add3A_1278, %and3A_1281, %add3A_624] : memref<16x8x128xf32, #tpu.memory_space<vmem>>[vector<16xi32>, vector<16xi32>, vector<16xi32>], vector<16xf32>,
          %mul3A_1283 = arith.constant 32 : i32
          %mul3A_1284 = vector.broadcast %mul3A_1283 : i32 to vector<16xi32>
          %mul3A_1285 = arith.muli %add3A_628, %mul3A_1284 : vector<16xi32>
          %add3A_1286 = arith.addi %mul3A_1285, %and3A_1270 : vector<16xi32>
          %add3A_1287 = arith.constant 30 : i32
          %add3A_1288 = vector.broadcast %add3A_1287 : i32 to vector<16xi32>
          %add3A_1289 = arith.addi %add3A_1288, %iota3A : vector<16xi32>
          %and3A_1290 = arith.constant 31 : i32
          %and3A_1291 = vector.broadcast %and3A_1290 : i32 to vector<16xi32>
          %and3A_1292 = arith.andi %add3A_1289, %and3A_1291 : vector<16xi32>
          %shift_right_arithmetic3A_1293 = arith.constant 3 : i32
          %shift_right_arithmetic3A_1294 = vector.broadcast %shift_right_arithmetic3A_1293 : i32 to vector<16xi32>
          %shift_right_arithmetic3A_1295 = arith.shrsi %and3A_1292, %shift_right_arithmetic3A_1294 : vector<16xi32>
          %mul3A_1296 = arith.constant 4 : i32
          %mul3A_1297 = vector.broadcast %mul3A_1296 : i32 to vector<16xi32>
          %mul3A_1298 = arith.muli %shift_right_arithmetic3A_1295, %mul3A_1297 : vector<16xi32>
          %add3A_1299 = vector.broadcast %select_n3A : i32 to vector<16xi32>
          %add3A_1300 = arith.addi %mul3A_1298, %add3A_1299 : vector<16xi32>
          %and3A_1301 = arith.constant 7 : i32
          %and3A_1302 = vector.broadcast %and3A_1301 : i32 to vector<16xi32>
          %and3A_1303 = arith.andi %and3A_1292, %and3A_1302 : vector<16xi32>
          %gather3A_1304 = tpu.vector_load_idx %arg5[%add3A_1300, %and3A_1303, %add3A_624] : memref<16x8x128xf32, #tpu.memory_space<vmem>>[vector<16xi32>, vector<16xi32>, vector<16xi32>], vector<16xf32>,
          %mul3A_1305 = arith.constant 32 : i32
          %mul3A_1306 = vector.broadcast %mul3A_1305 : i32 to vector<16xi32>
          %mul3A_1307 = arith.muli %add3A_628, %mul3A_1306 : vector<16xi32>
          %add3A_1308 = arith.addi %mul3A_1307, %and3A_1292 : vector<16xi32>
          %add3A_1309 = arith.constant 31 : i32
          %add3A_1310 = vector.broadcast %add3A_1309 : i32 to vector<16xi32>
          %add3A_1311 = arith.addi %add3A_1310, %iota3A : vector<16xi32>
          %and3A_1312 = arith.constant 31 : i32
          %and3A_1313 = vector.broadcast %and3A_1312 : i32 to vector<16xi32>
          %and3A_1314 = arith.andi %add3A_1311, %and3A_1313 : vector<16xi32>
          %shift_right_arithmetic3A_1315 = arith.constant 3 : i32
          %shift_right_arithmetic3A_1316 = vector.broadcast %shift_right_arithmetic3A_1315 : i32 to vector<16xi32>
          %shift_right_arithmetic3A_1317 = arith.shrsi %and3A_1314, %shift_right_arithmetic3A_1316 : vector<16xi32>
          %mul3A_1318 = arith.constant 4 : i32
          %mul3A_1319 = vector.broadcast %mul3A_1318 : i32 to vector<16xi32>
          %mul3A_1320 = arith.muli %shift_right_arithmetic3A_1317, %mul3A_1319 : vector<16xi32>
          %add3A_1321 = vector.broadcast %select_n3A : i32 to vector<16xi32>
          %add3A_1322 = arith.addi %mul3A_1320, %add3A_1321 : vector<16xi32>
          %and3A_1323 = arith.constant 7 : i32
          %and3A_1324 = vector.broadcast %and3A_1323 : i32 to vector<16xi32>
          %and3A_1325 = arith.andi %and3A_1314, %and3A_1324 : vector<16xi32>
          %gather3A_1326 = tpu.vector_load_idx %arg5[%add3A_1322, %and3A_1325, %add3A_624] : memref<16x8x128xf32, #tpu.memory_space<vmem>>[vector<16xi32>, vector<16xi32>, vector<16xi32>], vector<16xf32>,
          %mul3A_1327 = arith.constant 32 : i32
          %mul3A_1328 = vector.broadcast %mul3A_1327 : i32 to vector<16xi32>
          %mul3A_1329 = arith.muli %add3A_628, %mul3A_1328 : vector<16xi32>
          %add3A_1330 = arith.addi %mul3A_1329, %and3A_1314 : vector<16xi32>
          tpu.vector_store_idx %arg6[%add3A_1176], %gather3A_1172 : memref<16384xf32, #tpu.memory_space<vmem>>[vector<16xi32>], vector<16xf32>,
          tpu.vector_store_idx %arg6[%add3A_1198], %gather3A_1194 : memref<16384xf32, #tpu.memory_space<vmem>>[vector<16xi32>], vector<16xf32>,
          tpu.vector_store_idx %arg6[%add3A_1220], %gather3A_1216 : memref<16384xf32, #tpu.memory_space<vmem>>[vector<16xi32>], vector<16xf32>,
          tpu.vector_store_idx %arg6[%add3A_1242], %gather3A_1238 : memref<16384xf32, #tpu.memory_space<vmem>>[vector<16xi32>], vector<16xf32>,
          tpu.vector_store_idx %arg6[%add3A_1264], %gather3A_1260 : memref<16384xf32, #tpu.memory_space<vmem>>[vector<16xi32>], vector<16xf32>,
          tpu.vector_store_idx %arg6[%add3A_1286], %gather3A_1282 : memref<16384xf32, #tpu.memory_space<vmem>>[vector<16xi32>], vector<16xf32>,
          tpu.vector_store_idx %arg6[%add3A_1308], %gather3A_1304 : memref<16384xf32, #tpu.memory_space<vmem>>[vector<16xi32>], vector<16xf32>,
          tpu.vector_store_idx %arg6[%add3A_1330], %gather3A_1326 : memref<16384xf32, #tpu.memory_space<vmem>>[vector<16xi32>], vector<16xf32>,
        }
        %scan3A_578 = arith.constant 32 : i32
        %mul3A_579 = arith.constant 16384 : i32
        %mul3A_580 = arith.muli %add3A_11, %mul3A_579 : i32
        %multiple_of3A_581 = tpu.assume_multiple %mul3A_580, 16384 : i32
        %dma_start3A_582 = tpu.memref_slice %arg4[%multiple_of3A_581] : memref<32000000xf32, #tpu.memory_space<hbm>> -> memref<16384xf32, #tpu.memory_space<hbm>>
        %dma_start3A_583 = tpu.memref_slice %arg4[%multiple_of3A_581] : memref<32000000xf32, #tpu.memory_space<hbm>> -> memref<16384xf32, #tpu.memory_space<hbm>>
        tpu.enqueue_dma source(%arg6 : memref<16384xf32, #tpu.memory_space<vmem>>) target(%dma_start3A_583 : memref<16384xf32, #tpu.memory_space<hbm>>) target_semaphore(%arg8 : memref<!tpu.dma_semaphore, #tpu.memory_space<semaphore_mem>>)
        %dma_wait3A_584 = arith.constant 0 : i32
        %dma_wait3A_585 = tpu.memref_slice %arg4[%dma_wait3A_584] : memref<32000000xf32, #tpu.memory_space<hbm>> -> memref<16384xf32, #tpu.memory_space<hbm>>
        %dma_wait3A_586 = arith.constant 0 : i32
        %dma_wait3A_587 = tpu.memref_slice %arg4[%dma_wait3A_586] : memref<32000000xf32, #tpu.memory_space<hbm>> -> memref<16384xf32, #tpu.memory_space<hbm>>
        tpu.wait_dma2 semaphore(%arg8 : memref<!tpu.dma_semaphore, #tpu.memory_space<semaphore_mem>>) src(%arg6 : memref<16384xf32, #tpu.memory_space<vmem>>) dst(%dma_wait3A_587 : memref<16384xf32, #tpu.memory_space<hbm>>)
      } else {
      }
    }
    %scan3A_5 = arith.constant 62 : i32
    %eq3A = arith.constant 0 : i32
    %eq3A_6 = arith.cmpi eq, %add3A, %eq3A : i32
    %convert_element_type3A = arith.extui %eq3A_6 : i1 to i32
    %cond3A = arith.constant 0 : i32
    %cond3A_7 = arith.cmpi ne, %convert_element_type3A, %cond3A : i32
    scf.if %cond3A_7 {
      "tpu.region"() ({
        %run_scoped3A = tpu.sem_alloc : memref<!tpu.dma_semaphore, #tpu.memory_space<semaphore_mem>>
        %dma_start3A = arith.constant 0 : i32
        %dma_start3A_8 = tpu.memref_slice %arg6[%dma_start3A] : memref<16384xf32, #tpu.memory_space<vmem>> -> memref<2048xf32, #tpu.memory_space<vmem>>
        %dma_start3A_9 = arith.constant 0 : i32
        %dma_start3A_10 = tpu.memref_slice %arg6[%dma_start3A_9] : memref<16384xf32, #tpu.memory_space<vmem>> -> memref<2048xf32, #tpu.memory_space<vmem>>
        tpu.enqueue_dma source(%arg3 : memref<2048xf32, #tpu.memory_space<hbm>>) target(%dma_start3A_10 : memref<2048xf32, #tpu.memory_space<vmem>>) target_semaphore(%run_scoped3A : memref<!tpu.dma_semaphore, #tpu.memory_space<semaphore_mem>>)
        %dma_wait3A = arith.constant 0 : i32
        %dma_wait3A_11 = tpu.memref_slice %arg6[%dma_wait3A] : memref<16384xf32, #tpu.memory_space<vmem>> -> memref<2048xf32, #tpu.memory_space<vmem>>
        %dma_wait3A_12 = arith.constant 0 : i32
        %dma_wait3A_13 = tpu.memref_slice %arg6[%dma_wait3A_12] : memref<16384xf32, #tpu.memory_space<vmem>> -> memref<2048xf32, #tpu.memory_space<vmem>>
        tpu.wait_dma2 semaphore(%run_scoped3A : memref<!tpu.dma_semaphore, #tpu.memory_space<semaphore_mem>>) src(%arg3 : memref<2048xf32, #tpu.memory_space<hbm>>) dst(%dma_wait3A_13 : memref<2048xf32, #tpu.memory_space<vmem>>)
        tpu.yield
      }) : () -> ()
      "tpu.region"() ({
        %run_scoped3A = tpu.sem_alloc : memref<!tpu.dma_semaphore, #tpu.memory_space<semaphore_mem>>
        %dma_start3A = arith.constant 0 : i32
        %dma_start3A_8 = tpu.memref_slice %arg6[%dma_start3A] : memref<16384xf32, #tpu.memory_space<vmem>> -> memref<2048xf32, #tpu.memory_space<vmem>>
        %dma_start3A_9 = arith.constant 31997952 : i32
        %dma_start3A_10 = tpu.memref_slice %arg4[%dma_start3A_9] : memref<32000000xf32, #tpu.memory_space<hbm>> -> memref<2048xf32, #tpu.memory_space<hbm>>
        %dma_start3A_11 = arith.constant 31997952 : i32
        %dma_start3A_12 = tpu.memref_slice %arg4[%dma_start3A_11] : memref<32000000xf32, #tpu.memory_space<hbm>> -> memref<2048xf32, #tpu.memory_space<hbm>>
        %dma_start3A_13 = arith.constant 0 : i32
        %dma_start3A_14 = tpu.memref_slice %arg6[%dma_start3A_13] : memref<16384xf32, #tpu.memory_space<vmem>> -> memref<2048xf32, #tpu.memory_space<vmem>>
        tpu.enqueue_dma source(%dma_start3A_14 : memref<2048xf32, #tpu.memory_space<vmem>>) target(%dma_start3A_12 : memref<2048xf32, #tpu.memory_space<hbm>>) target_semaphore(%run_scoped3A : memref<!tpu.dma_semaphore, #tpu.memory_space<semaphore_mem>>)
        %dma_wait3A = arith.constant 0 : i32
        %dma_wait3A_15 = tpu.memref_slice %arg6[%dma_wait3A] : memref<16384xf32, #tpu.memory_space<vmem>> -> memref<2048xf32, #tpu.memory_space<vmem>>
        %dma_wait3A_16 = arith.constant 31997952 : i32
        %dma_wait3A_17 = tpu.memref_slice %arg4[%dma_wait3A_16] : memref<32000000xf32, #tpu.memory_space<hbm>> -> memref<2048xf32, #tpu.memory_space<hbm>>
        %dma_wait3A_18 = arith.constant 31997952 : i32
        %dma_wait3A_19 = tpu.memref_slice %arg4[%dma_wait3A_18] : memref<32000000xf32, #tpu.memory_space<hbm>> -> memref<2048xf32, #tpu.memory_space<hbm>>
        %dma_wait3A_20 = arith.constant 0 : i32
        %dma_wait3A_21 = tpu.memref_slice %arg6[%dma_wait3A_20] : memref<16384xf32, #tpu.memory_space<vmem>> -> memref<2048xf32, #tpu.memory_space<vmem>>
        tpu.wait_dma2 semaphore(%run_scoped3A : memref<!tpu.dma_semaphore, #tpu.memory_space<semaphore_mem>>) src(%dma_wait3A_21 : memref<2048xf32, #tpu.memory_space<vmem>>) dst(%dma_wait3A_19 : memref<2048xf32, #tpu.memory_space<hbm>>)
        tpu.yield
      }) : () -> ()
    } else {
    }
    return
  }
}

</mosaic_0001>

<sc_bundles>
// kernel: _detile_weight.3.cloned.1.call-start
scs
__scs_entry_jumppad:
0x0: {  	(pc) =	sbr.rel $0x88, $3  }
0x1: {  	(tag) =	ssettag $0x0;
	lr =	simm.s32 $0x1  }
0x2: {  	[smem:$0x3FA0] =	sst lr;
	_ =	strace $0xD0000000  }
0x3: {  	_ = 	snop  }
0x4: {  	_ = 	snop  }
0x5: {  	_ = 	snop  }
0x6: {  	_ = 	snop  }
0x7: {  	_ = 	snop  }
__scs_overlays_trampoline_lowered:
0x8: {  	[smem:$0x3FAF] =	sst s0  }
0x9: {  	[smem:$0x3FB0] =	sst s1  }
0xa: {  	[smem:$0x3FB1] =	sst s2  }
0xb: {  	[smem:$0x3FB2] =	sst s3  }
0xc: {  	[smem:$0x3FB3] =	sst s4  }
0xd: {  	[smem:$0x3FB4] =	sst s5  }
0xe: {  	[smem:$0x3FB5] =	sst s6  }
0xf: {  	[smem:$0x3FB6] =	sst s7  }
0x10: {  	[smem:$0x3FB7] =	sst s8  }
0x11: {  	[smem:$0x3FB8] =	sst s9;
	s0 =	simm.s32 @!p0 $0x0  }
0x12: {  	s1 =	sld [smem:$0x3F9E];
	s0 =	simm.s32 @p0 $0x1  }
0x13: {  	[smem:$0x3FB9] =	sst s0;
	s0 =	simm.s32 @!p1 $0x0  }
0x14: {  	s2 =	sld [smem:$0x3F9D];
	s0 =	simm.s32 @p1 $0x1  }
0x15: {  	[smem:$0x3FBA] =	sst s0;
	s0 =	simm.s32 @!p2 $0x0  }
0x16: {  	s3 =	sld [smem:$0x3FDB];
	s0 =	simm.s32 @p2 $0x1  }
0x17: {  	s4 =	simm.s32 $0x1BF5;
	[smem:$0x3FBC] =	sst s0  }
0x18: {  	s0 =	sld [smem:$0x3F9F];
	_ =	swait.ge [sflag:s4], $0x0  }
0x19: {  	s7 =	sld [smem:$0x3FA0]  }
0x1a: {  	s8 =	sadd.s32 $0xFFFFE003, lr  }
0x1b: {  	s9 =	sadd.s32 $0xFFFFFEF7, lr;
	s5 =	simm.s32 $0xFFFFFFFF;
	p2 =	slt.u32 s8, $0xFFFFF086  }
0x1c: {  	p1 =	slt.u32 s9, $0xF7A;
	s5 =	simm.s32 @!p2 $0x0  }
0x1d: {  	s5 =	simm.s32 @p1 $0x1;
	p0 =	seq.s32 s7, s2  }
0x1e: {  	s7 =	smul.u32 @!p0 $0xF7A, s2;
	p2 =	seq.s32 @!p0 s5, $0x0  }
0x1f: {  	s9 =	smul.u32 $0xF7A, s1;
	s8 =	simm.s32 @!p0 $0x1BF5;
	p2 =	por !p2, p0  }
0x20: {  	[sflag:s8] =	ssyncset.s32 @!p0 $0xFFFFF086;
	s6 =	sadd.s32 @!p0 s3, s7;
	s7 =	simm.s32 @!p0 $0x108  }
0x21: {  	s3 =	sadd.s32 s3, s9;
	s6 =	sadd.s32 @!p0 $0x88, s6;
	s7 =	simm.s32 @p2 $0x1082  }
0x22: {  	[simem:s7], [sflag:s8] =	dma.local @!p0 [hbm:s6], $0xF7A  }
0x23: {  	s9 =	sor.u32 $0xD0000000, s2;
	s6 =	simm.s32 $0x108;
	_ =	swait.ge @!p0 [sflag:s8], $0x0  }
0x24: {  	s3 =	sadd.s32 $0x88, s3;
	s6 =	simm.s32 @!p1 $0x1082;
	[sflag:s4] =	ssyncset.s32 $0xFFFFF086  }
0x25: {  	[simem:s6], [sflag:s4] =	dma.local [hbm:s3], $0xF7A  }
0x26: {  	[smem:$0x3FA0] =	sst s1;
	(tag) =	ssettag s2;
	_ =	strace s9  }
0x27: {  	s1 =	sld [smem:$0x3FB0]  }
0x28: {  	s2 =	sld [smem:$0x3FB1]  }
0x29: {  	s4 =	sld [smem:$0x3FB3]  }
0x2a: {  	p0 =	seq.s32 s5, $0x0;
	s5 =	sld [smem:$0x3FB4]  }
0x2b: {  	s6 =	sld [smem:$0x3FB5]  }
0x2c: {  	s7 =	sld [smem:$0x3FB6]  }
0x2d: {  	s3 =	simm.s32 $0x108;
	s8 =	sld [smem:$0x3FB7]  }
0x2e: {  	s3 =	simm.s32 @!p0 $0x1082;
	s9 =	sld [smem:$0x3FB8]  }
0x2f: {  	lr =	sadd.s32 s0, s3;
	s0 =	sld [smem:$0x3FAF]  }
0x30: {  	s3 =	sld [smem:$0x3FB2]  }
0x31: {  	[smem:$0x3FBB] =	sst s10  }
0x32: {  	s10 =	sld [smem:$0x3FB9];
	_ =	sdelay $0x3  }
0x33: {  	p0 =	seq.s32 s10, $0x1;
	s10 =	sld [smem:$0x3FBB];
	_ =	sdelay $0x3  }
0x34: {  	[smem:$0x3FBB] =	sst s10  }
0x35: {  	s10 =	sld [smem:$0x3FBA];
	_ =	sdelay $0x3  }
0x36: {  	p1 =	seq.s32 s10, $0x1;
	s10 =	sld [smem:$0x3FBB];
	_ =	sdelay $0x3  }
0x37: {  	[smem:$0x3FBB] =	sst s10  }
0x38: {  	s10 =	sld [smem:$0x3FBC]  }
0x39: {  	_ = 	snop;
	(pc) =	sbr.ind lr, $3  }
0x3a: {  	_ = 	snop  }
0x3b: {  	_ = 	snop  }
0x3c: {  	p2 =	seq.s32 s10, $0x1;
	s10 =	sld [smem:$0x3FBB]  }
0x3d: {  	_ =	shalt  }
0x3e: {  	_ =	shalt  }
0x3f: {  	_ =	shalt  }
0x40: {  	_ =	shalt  }
0x41: {  	_ =	shalt  }
0x42: {  	_ =	shalt  }
0x43: {  	_ =	shalt  }
0x44: {  	_ =	shalt  }
0x45: {  	_ =	shalt  }
0x46: {  	_ =	shalt  }
0x47: {  	_ =	shalt  }
0x48: {  	_ =	shalt  }
0x49: {  	_ =	shalt  }
0x4a: {  	_ =	shalt  }
0x4b: {  	_ =	shalt  }
0x4c: {  	_ =	shalt  }
0x4d: {  	_ =	shalt  }
0x4e: {  	_ =	shalt  }
0x4f: {  	_ =	shalt  }
0x50: {  	_ =	shalt  }
0x51: {  	_ =	shalt  }
0x52: {  	_ =	shalt  }
0x53: {  	_ =	shalt  }
0x54: {  	_ =	shalt  }
0x55: {  	_ =	shalt  }
0x56: {  	_ =	shalt  }
0x57: {  	_ =	shalt  }
0x58: {  	_ =	shalt  }
0x59: {  	_ =	shalt  }
0x5a: {  	_ =	shalt  }
0x5b: {  	_ =	shalt  }
0x5c: {  	_ =	shalt  }
0x5d: {  	_ =	shalt  }
0x5e: {  	_ =	shalt  }
0x5f: {  	_ =	shalt  }
0x60: {  	_ =	shalt  }
0x61: {  	_ =	shalt  }
0x62: {  	_ =	shalt  }
0x63: {  	_ =	shalt  }
0x64: {  	_ =	shalt  }
0x65: {  	_ =	shalt  }
0x66: {  	_ =	shalt  }
0x67: {  	_ =	shalt  }
0x68: {  	_ =	shalt  }
0x69: {  	_ =	shalt  }
0x6a: {  	_ =	shalt  }
0x6b: {  	_ =	shalt  }
0x6c: {  	_ =	shalt  }
0x6d: {  	_ =	shalt  }
0x6e: {  	_ =	shalt  }
0x6f: {  	_ =	shalt  }
0x70: {  	_ =	shalt  }
0x71: {  	_ =	shalt  }
0x72: {  	_ =	shalt  }
0x73: {  	_ =	shalt  }
0x74: {  	_ =	shalt  }
0x75: {  	_ =	shalt  }
0x76: {  	_ =	shalt  }
0x77: {  	_ =	shalt  }
0x78: {  	_ =	shalt  }
0x79: {  	_ =	shalt  }
0x7a: {  	_ =	shalt  }
0x7b: {  	_ =	shalt  }
0x7c: {  	_ =	shalt  }
0x7d: {  	_ =	shalt  }
0x7e: {  	_ =	shalt  }
0x7f: {  	_ =	shalt  }
0x80: {  	_ =	shalt  }
0x81: {  	_ =	shalt  }
0x82: {  	_ =	shalt  }
0x83: {  	_ =	shalt  }
0x84: {  	_ =	shalt  }
0x85: {  	_ =	shalt  }
0x86: {  	_ =	shalt  }
0x87: {  	_ =	shalt  }
.Lfunc_end0:
.L_simem_size_0:
called_computation_lowered:
.L_overlay_start_0:
0x88: {  	s2 =	sld [smem:$0x3FD9]  }
0x89: {  	s3 =	sld [smem:$0x3FFE];
	_ =	sdelay $0x1  }
0x8a: {  	s1 =	srdreg.scid  }
0x8b: {  	s0 =	sand.u32 $0x1, s1  }
0x8c: {  	s17 =	sshll.u32 s0, $0xA;
	s2 =	sadd.s32 s3, s2  }
0x8d: {  	s2 =	sadd.s32 s2, s17  }
0x8e: {  	[smem:$0x3FC7] =	sst s2  }
0x8f: {  	_ = 	snop  }
0x90: {  	s2 =	sld [smem:$0x3FC9]  }
0x91: {  	s18 =	sld [smem:$0x3FD0];
	(tm) =	ssettm $0x1  }
0x92: {  	s4 =	sld [smem:$0x3FFB];
	_ =	sdelay $0x3  }
0x93: {  	_ =	strace s4  }
0x94: {  	s4 =	sld [smem:$0x3FFC];
	_ =	sdelay $0x3  }
0x95: {  	_ =	strace s4  }
0x96: {  	s4 =	sld [smem:$0x3FFD];
	_ =	sdelay $0x3  }
0x97: {  	_ =	strace s4  }
0x98: {  	_ =	strace $0x8FFFFFFF  }
0x99: {  	s19 =	sld [smem:$0x3FDB];
	_ =	sdelay $0x1  }
0x9a: {  	s5 =	simm.s32 $_scs_section_size  }
0x9b: {  	s6 =	simm.s32 $_size__tile_overlayer_lowered;
	s7 =	simm.s32 $_tile_overlayer_lowered  }
0x9c: {  	s22 =	simm.s32 $0x1BFF;
	s21 =	sshll.u32 s7, $0x1;
	s4 =	sadd.s32 s5, s19  }
0x9d: {  	s8 =	simm.s32 $0x0;
	s20 =	sshll.u32 s6, $0x1;
	s6 =	sadd.s32 s21, s4  }
0x9e: {  	[timem:s8], [sflag:s22] =	dma.local [hbm:s6], s20  }
0x9f: {  	_ =	swait.ge [sflag:s22], s20  }
0xa0: {  	s5 =	ssub.s32 $0x0, s20;
	[sflag:s22] =	ssyncset.done $0x0  }
0xa1: {  	[sflag:s22] =	ssyncadd.s32 s5;
	_ =	sdelay $0x1  }
0xa2: {  	s23 =	simm.s32 $0x1B8B  }
0xa3: {  	_ =	swait.ge [sflag:s23], $0x1  }
0xa4: {  	[sflag:s23] =	ssyncset.done $0x0  }
0xa5: {  	s25 =	simm.s32 $0x1B8E;
	s24 =	sld [smem:$0x3FFE];
	[sflag:s23] =	ssyncadd.s32 $0xFFFFFFFF  }
0xa6: {  	s26 =	simm.s32 $execute0_lowered;
	[smem:$0x3FD2] =	sst s25  }
0xa7: {  	s6 =	sshll.u32 s26, $0x1;
	_ =	strace $0x80000046;
	[dreg:$0x1] =	wrdreg $0xFFFFFFFF  }
0xa8: {  	s28 =	simm.s32 $_size_execute0_lowered;
	s4 =	sadd.s32 s4, s6;
	[dreg:$0x0] =	wrdreg $0x0  }
0xa9: {  	s6 =	sshll.u32 s28, $0x1;
	[dreg:$0x2] =	wrdreg s4  }
0xaa: {  	[dreg:$0x3] =	wrdreg s6  }
0xab: {  	[dreg:$0x4] =	wrdreg $0xC0  }
0xac: {  	_ =	task [dreg:s8], $0x5FFFF  }
0xad: {  	[dreg:$0x1] =	wrdreg $0xFFFFFFFF  }
0xae: {  	[dreg:$0x0] =	wrdreg $0x60  }
0xaf: {  	[dreg:$0x2] =	wrdreg s2  }
0xb0: {  	[dreg:$0x3] =	wrdreg s24  }
0xb1: {  	[dreg:$0x4] =	wrdreg s18  }
0xb2: {  	[dreg:$0x5] =	wrdreg $0x9  }
0xb3: {  	_ =	task.clear_ibuf [dreg:s8], $0x6FFFF;
	_ =	strace $0x90000046  }
0xb4: {  	s29 =	simm.s32 $0x9;
	_ =	strace $0x80000048  }
0xb5: {  	_ =	swait.ge [sflag:s29], $0x1  }
0xb6: {  	[sflag:s29] =	ssyncadd.s32 $0xFFFFFFFF  }
0xb7: {  	_ =	strace $0x90000048  }
0xb8: {  	_ =	sfence  }
0xb9: {  	s30 =	sld [smem:$0x0];
	_ =	sdelay $0x2  }
0xba: {  	s31 =	sshll.u32 s1, $0xD;
	s1 =	sshrl.u32 s1, $0x2  }
0xbb: {  	s3 =	sand.u32 $0x4000, s31;
	s1 =	sadd.s32 s1, s30  }
0xbc: {  	s0 =	sor.u32 s3, s0;
	s1 =	sshll.u32 s1, $0x11  }
0xbd: {  	s0 =	sor.u32 s1, s0  }
0xbe: {  	s0 =	sadd.s32 $0x8F2B, s0  }
0xbf: {  	[sflag:s0] =	ssyncadd.remote.s32 $0x1  }
0xc0: {  	_ =	sfence.sel $0xFFFF  }
0xc1: {  	[dreg:$0x0] =	wrdreg $0xFFFFFFFF;
	(pc) =	sbr.abs _section_cstart, $3  }
0xc2: {  	[dreg:$0x1] =	wrdreg $0xFFFFFFFF  }
0xc3: {  	_ =	task.clear_ibuf [dreg:s8], $0x2FFFF;
	_ =	strace $0x9FFFFFFF  }
0xc4: {  	(tm) =	ssettm $0x7FFFFFFF  }
0xc5: {  	_ =	shalt  }
tec
execute0_lowered:
.L_overlay_start_1:
0x0: {  	(tag) =	ssettag $0x1  }
0x1: {  	v0 =	vimm.s32 $0x1000  }
0x2: {  	vm0 =	vcmask $0x300;
	vm2 =	vcmask $0x2304;
	vm3 =	vcmask $0x700  }
0x3: {  	vm5 =	vcmask $0xB00;
	vm4 =	vcmask $0x2708;
	vm6 =	vcmask $0x2B0C  }
0x4: {  	vm12 =	vcmask $0xF00;
	vm1 =	vcmask $0x2F10;
	vm11 =	vcmask $0x1300  }
0x5: {  	vm8 =	vcmask $0x1700;
	vm13 =	vcmask $0x3314;
	vm9 =	vcmask $0x3718  }
0x6: {  	vm10 =	vcmask $0x1B00;
	vm7 =	vcmask $0x3B1C;
	v1 =	vsel vm0, $0x3000, v0  }
0x7: {  	v2 =	vsel vm5, $0x3000, v0;
	v14 =	vsel vm2, $0x0, v1;
	v1 =	vsel vm3, $0x3000, v0  }
0x8: {  	v15 =	vsel vm6, $0x0, v2;
	v17 =	vsel vm4, $0x0, v1;
	v1 =	vsel vm12, $0x3000, v0  }
0x9: {  	v2 =	vsel vm8, $0x3000, v0;
	v20 =	vsel vm1, $0x0, v1;
	v1 =	vsel vm11, $0x3000, v0  }
0xa: {  	v0 =	vsel vm10, $0x3000, v0;
	v21 =	vsel vm13, $0x0, v1;
	v1 =	vsel vm9, $0x0, v2  }
0xb: {  	v0 =	vsel vm7, $0x0, v0;
	[tilespmem:$0x1FCD0] =	vst v1;
	v1 =	vimm.s32 $0x0  }
0xc: {  	[tilespmem:$0x1FCE0] =	vst v0;
	v0 =	vsel vm0, $0x2000, v1  }
0xd: {  	v2 =	vsel vm3, $0x2000, v1;
	v0 =	vsel vm2, $0x3000, v0  }
0xe: {  	[tilespmem:$0x1FCF0] =	vst v0;
	v0 =	vsel vm4, $0x3000, v2;
	v2 =	vsel vm11, $0x2000, v1  }
0xf: {  	[tilespmem:$0x1FD00] =	vst v0;
	v0 =	vsel vm5, $0x2000, v1;
	v58 =	vsel vm13, $0x3000, v2;
	v2 =	vimm.s32 $0x3000  }
0x10: {  	v40 =	vlaneseq.u32;
	v0 =	vsel vm6, $0x3000, v0;
	v3 =	vsel vm3, $0x1000, v2  }
0x11: {  	vm14 =	vcmask $0x3B38;
	[tilespmem:$0x1FD10] =	vst v0;
	v0 =	vsel vm12, $0x2000, v1;
	v39 =	vsel vm4, $0x2000, v3  }
0x12: {  	v3 =	vsel vm11, $0x1000, v2;
	v41 =	vsel vm1, $0x3000, v0;
	v0 =	vsel vm8, $0x2000, v1  }
0x13: {  	v63 =	vsel vm13, $0x2000, v3;
	v60 =	vsel vm9, $0x3000, v0;
	v0 =	vsel vm10, $0x2000, v1  }
0x14: {  	v3 =	vsel vm8, $0x1000, v2;
	v61 =	vsel vm7, $0x3000, v0;
	v0 =	vsel vm0, $0x1000, v2  }
0x15: {  	v54 =	vsel vm9, $0x2000, v3;
	v62 =	vsel vm2, $0x2000, v0;
	v0 =	vsel vm5, $0x1000, v2  }
0x16: {  	v1 =	vsel vm0, $0x80, v1;
	v42 =	vsel vm6, $0x2000, v0;
	v0 =	vsel vm12, $0x1000, v2  }
0x17: {  	v2 =	vsel vm10, $0x1000, v2;
	v51 =	vsel vm1, $0x2000, v0;
	v0 =	vimm.s32 $0x2000  }
0x18: {  	v52 =	vsel vm7, $0x2000, v2;
	v4 =	vsel vm0, $0x0, v0;
	v2 =	vsel vm3, $0x0, v0  }
0x19: {  	v3 =	vsel vm5, $0x0, v0;
	vm3 =	vcmask $0xB08;
	vm5 =	vcmask $0x1310  }
0x1a: {  	v56 =	vsel vm2, $0x1000, v4;
	v4 =	vsel vm12, $0x0, v0;
	vm2 =	vcmask $0x704  }
0x1b: {  	v49 =	vsel vm4, $0x1000, v2;
	v43 =	vsel vm6, $0x1000, v3;
	v1 =	vsel vm2, $0x100, v1  }
0x1c: {  	v2 =	vsel vm11, $0x0, v0;
	vm4 =	vcmask $0xF0C;
	v1 =	vsel vm3, $0x180, v1  }
0x1d: {  	vm6 =	vcmask $0x1714;
	v45 =	vsel vm13, $0x1000, v2;
	v1 =	vsel vm4, $0x200, v1  }
0x1e: {  	v2 =	vsel vm8, $0x0, v0;
	v0 =	vsel vm10, $0x0, v0;
	v1 =	vsel vm5, $0x280, v1  }
0x1f: {  	v47 =	vsel vm7, $0x1000, v0;
	vm7 =	vcmask $0x1B18;
	v0 =	vsel vm6, $0x300, v1  }
0x20: {  	vm8 =	vcmask $0x2320;
	v59 =	vsel vm9, $0x1000, v2;
	v0 =	vsel vm7, $0x380, v0  }
0x21: {  	vm9 =	vcmask $0x2724;
	v1 =	vshrl.u32 v40, $0x3;
	v0 =	vsel vm8, $0x80, v0  }
0x22: {  	vm10 =	vcmask $0x2B28;
	v2 =	vmul.u32 $0xFFFFD000, v1;
	v0 =	vsel vm9, $0x100, v0  }
0x23: {  	vm11 =	vcmask $0x2F2C;
	vm12 =	vcmask $0x3330;
	v0 =	vsel vm10, $0x180, v0  }
0x24: {  	v48 =	vmul.u32 $0x1000, v1;
	v1 =	vadd.s32 $0x3000, v2;
	v0 =	vsel vm11, $0x200, v0  }
0x25: {  	vm13 =	vcmask $0x3734;
	[tilespmem:$0x1FD20] =	vst v1;
	v1 =	vand.u32 $0x7, v40;
	v0 =	vsel vm12, $0x280, v0  }
0x26: {  	v31 =	vmul.u32 $0x80, v1;
	v1 =	vimm.s32 $0x80;
	v0 =	vsel vm13, $0x300, v0  }
0x27: {  	v32 =	vsel vm14, $0x380, v0;
	v0 =	vsel vm0, $0x100, v1;
	v1 =	vimm.s32 $0x100  }
0x28: {  	v2 =	vimm.s32 $0x180;
	v0 =	vsel vm2, $0x180, v0;
	v1 =	vsel vm0, $0x180, v1  }
0x29: {  	v2 =	vsel vm0, $0x200, v2;
	v0 =	vsel vm3, $0x200, v0;
	v1 =	vsel vm2, $0x200, v1  }
0x2a: {  	v2 =	vsel vm2, $0x280, v2;
	v0 =	vsel vm4, $0x280, v0;
	v1 =	vsel vm3, $0x280, v1  }
0x2b: {  	v2 =	vsel vm3, $0x300, v2;
	v0 =	vsel vm5, $0x300, v0;
	v1 =	vsel vm4, $0x300, v1  }
0x2c: {  	v2 =	vsel vm4, $0x380, v2;
	v0 =	vsel vm6, $0x380, v0;
	v1 =	vsel vm5, $0x380, v1  }
0x2d: {  	v2 =	vsel vm5, $0x0, v2;
	v0 =	vsel vm7, $0x0, v0;
	v1 =	vsel vm6, $0x0, v1  }
0x2e: {  	v2 =	vsel vm6, $0x80, v2;
	v0 =	vsel vm8, $0x100, v0;
	v1 =	vsel vm7, $0x80, v1  }
0x2f: {  	v2 =	vsel vm7, $0x100, v2;
	v0 =	vsel vm9, $0x180, v0;
	v1 =	vsel vm8, $0x180, v1  }
0x30: {  	v2 =	vsel vm8, $0x200, v2;
	v0 =	vsel vm10, $0x200, v0;
	v1 =	vsel vm9, $0x200, v1  }
0x31: {  	v2 =	vsel vm9, $0x280, v2;
	v0 =	vsel vm11, $0x280, v0;
	v1 =	vsel vm10, $0x280, v1  }
0x32: {  	v2 =	vsel vm10, $0x300, v2;
	v0 =	vsel vm12, $0x300, v0;
	v1 =	vsel vm11, $0x300, v1  }
0x33: {  	v2 =	vsel vm11, $0x380, v2;
	v0 =	vsel vm13, $0x380, v0;
	v1 =	vsel vm12, $0x380, v1  }
0x34: {  	v33 =	vsel vm14, $0x0, v0;
	v0 =	vsel vm13, $0x0, v1;
	v1 =	vsel vm12, $0x0, v2  }
0x35: {  	v34 =	vsel vm14, $0x80, v0;
	v0 =	vsel vm13, $0x80, v1;
	v1 =	vimm.s32 $0x200  }
0x36: {  	v35 =	vsel vm14, $0x100, v0;
	v0 =	vsel vm0, $0x280, v1;
	v1 =	vimm.s32 $0x280  }
0x37: {  	v2 =	vimm.s32 $0x300;
	v0 =	vsel vm2, $0x300, v0;
	v1 =	vsel vm0, $0x300, v1  }
0x38: {  	v2 =	vsel vm0, $0x380, v2;
	v0 =	vsel vm3, $0x380, v0;
	v1 =	vsel vm2, $0x380, v1  }
0x39: {  	v2 =	vsel vm2, $0x0, v2;
	v0 =	vsel vm4, $0x0, v0;
	v1 =	vsel vm3, $0x0, v1  }
0x3a: {  	v2 =	vsel vm3, $0x80, v2;
	v0 =	vsel vm5, $0x80, v0;
	v1 =	vsel vm4, $0x80, v1  }
0x3b: {  	v2 =	vsel vm4, $0x100, v2;
	v0 =	vsel vm6, $0x100, v0;
	v1 =	vsel vm5, $0x100, v1  }
0x3c: {  	v2 =	vsel vm5, $0x180, v2;
	v0 =	vsel vm7, $0x180, v0;
	v1 =	vsel vm6, $0x180, v1  }
0x3d: {  	v2 =	vsel vm6, $0x200, v2;
	v0 =	vsel vm8, $0x280, v0;
	v1 =	vsel vm7, $0x200, v1  }
0x3e: {  	v2 =	vsel vm7, $0x280, v2;
	v0 =	vsel vm9, $0x300, v0;
	v1 =	vsel vm8, $0x300, v1  }
0x3f: {  	v2 =	vsel vm8, $0x380, v2;
	v0 =	vsel vm10, $0x380, v0;
	v1 =	vsel vm9, $0x380, v1  }
0x40: {  	v2 =	vsel vm9, $0x0, v2;
	v0 =	vsel vm11, $0x0, v0;
	v1 =	vsel vm10, $0x0, v1  }
0x41: {  	v2 =	vsel vm10, $0x80, v2;
	v0 =	vsel vm12, $0x80, v0;
	v1 =	vsel vm11, $0x80, v1  }
0x42: {  	v2 =	vsel vm11, $0x100, v2;
	v0 =	vsel vm13, $0x100, v0;
	v1 =	vsel vm12, $0x100, v1  }
0x43: {  	v36 =	vsel vm14, $0x180, v0;
	v0 =	vsel vm13, $0x180, v1;
	v1 =	vsel vm12, $0x180, v2  }
0x44: {  	v37 =	vsel vm14, $0x200, v0;
	v0 =	vsel vm13, $0x200, v1;
	v1 =	vimm.s32 $0x14131211  }
0x45: {  	v38 =	vsel vm14, $0x280, v0;
	v0 =	vunpack.c.0.s8.s32 v1;
	v1 =	vimm.s32 $0x18171615  }
0x46: {  	v3 =	vunpack.c.0.s8.s32 v1  }
0x47: {  	vm0 =	vcmask $0x1F10  }
0x48: {  	v2 =	vimm.s32 $0x19181716;
	v0 =	vsel vm0, v3, v0  }
0x49: {  	v44 =	vsel vm1, $0x1000, v4;
	v1 =	vimm.s32 $0x15141312;
	[tilespmem:$0x1FD40] =	vst v0;
	v0 =	vimm.s32 $0x1C1B1A19  }
0x4a: {  	v4 =	vunpack.c.0.s8.s32 v2;
	v1 =	vunpack.c.0.s8.s32 v1;
	v0 =	vunpack.c.0.s8.s32 v0  }
0x4b: {  	v2 =	vimm.s32 $0x1F1E1D  }
0x4c: {  	v9 =	vunpack.c.0.s8.s32 v2;
	v2 =	vimm.s32 $0x1A191817;
	[tilespmem:$0x1FD50] =	vst v0;
	v0 =	vsel vm0, v4, v1  }
0x4d: {  	v1 =	vimm.s32 $0x16151413;
	[tilespmem:$0x1FD70] =	vst v0;
	v0 =	vimm.s32 $0x1D1C1B1A  }
0x4e: {  	v2 =	vunpack.c.0.s8.s32 v2;
	v1 =	vunpack.c.0.s8.s32 v1;
	v0 =	vunpack.c.0.s8.s32 v0  }
0x4f: {  	[tilespmem:$0x1FD60] =	vst v4  }
0x50: {  	v1 =	vsel vm0, v2, v1;
	[tilespmem:$0x1FD80] =	vst v0;
	v0 =	vimm.s32 $0x1E1D1C1B  }
0x51: {  	[tilespmem:$0x1FDA0] =	vst v1;
	v1 =	vimm.s32 $0x1F1E1D1C;
	v0 =	vunpack.c.0.s8.s32 v0  }
0x52: {  	[tilespmem:$0x1FD90] =	vst v2;
	v2 =	vimm.s32 $0x17161514;
	v6 =	vunpack.c.0.s8.s32 v1  }
0x53: {  	v1 =	vunpack.c.0.s8.s32 v2;
	v2 =	vimm.s32 $0x1B1A1918;
	[tilespmem:$0x1FDB0] =	vst v0;
	v0 =	vimm.s32 $0x3020100  }
0x54: {  	[tilespmem:$0x1FDF0] =	vst v9;
	v5 =	vunpack.c.0.s8.s32 v2;
	v2 =	vimm.s32 $0x4030201;
	v0 =	vunpack.c.0.s8.s32 v0  }
0x55: {  	[tilespmem:$0x1FD30] =	vst v3;
	v3 =	vimm.s32 $0x1001F1E;
	v2 =	vunpack.c.0.s8.s32 v2  }
0x56: {  	s0 =	rddreg [dreg:$0x0];
	v10 =	vunpack.c.0.s8.s32 v3;
	[tilespmem:$0x1FDE0] =	vst v6;
	v1 =	vsel vm0, v5, v1;
	v0 =	vsel vm0, v0, v6  }
0x57: {  	s1 =	rddreg [dreg:$0x1];
	s3 =	simm.s32 $0x0;
	v4 =	vimm.s32 $0x201001F;
	[tilespmem:$0x1FDC0] =	vst v5;
	v57 =	vcombine.low v1, v0;
	v0 =	vsel vm0, v2, v9  }
0x58: {  	[smem:$0x7FF] =	sst s3;
	v11 =	vunpack.c.0.s8.s32 v4;
	[tilespmem:$0x1FDD0] =	vst v0  }
0x59: {  	s2 =	rddreg [dreg:$0x2];
	_ =	strace $0x80000047;
	[tilespmem:$0x1FE00] =	vst v10  }
0x5a: {  	v12 =	vadd.s32 $0xF, v40;
	[tilespmem:$0x1FE20] =	vst v11  }
0x5b: {  	v28 =	vadd.s32 $0xE, v40;
	[tilespmem:$0x1FE80] =	vst v12  }
0x5c: {  	v13 =	vor.u32 $0x10, v40;
	[tilespmem:$0x1FE90] =	vst v28  }
0x5d: {  	v7 =	vimm.s32 $0xC0B0A09;
	v8 =	vimm.s32 $0x6543A987;
	v27 =	vadd.s32 $0x5, v40;
	[tilespmem:$0x1FEA0] =	vst v13  }
0x5e: {  	v7 =	vunpack.c.0.s8.s32 v7;
	v8 =	vunpack.c.l.s4.s8 v8;
	v16 =	vadd.s32 $0x3, v40;
	[tilespmem:$0x1FEB0] =	vst v27  }
0x5f: {  	v22 =	vadd.s32 $0x1, v40;
	v18 =	vadd.s32 $0x4, v40;
	v3 =	vimm.s32 $0x32107654;
	[tilespmem:$0x1FF50] =	vst v16  }
0x60: {  	v24 =	vadd.s32 $0x1000, v48;
	v3 =	vunpack.c.l.s4.s8 v3;
	v4 =	vimm.s32 $0xB0A0908;
	[tilespmem:$0x1FF60] =	vst v18  }
0x61: {  	v19 =	vadd.s32 $0x2, v40;
	vm2 =	vcmask $0x3F30;
	v4 =	vunpack.c.0.s8.s32 v4;
	[tilespmem:$0x1FF80] =	vst v24  }
0x62: {  	v5 =	vimm.s32 $0x87654321;
	v1 =	vimm.s32 $0x5040302;
	v0 =	vunpack.c.0.s8.s32 v3;
	[tilespmem:$0x1FF90] =	vst v19  }
0x63: {  	v2 =	vimm.s32 $0x6050403;
	v3 =	vimm.s32 $0x43218765;
	v1 =	vunpack.c.0.s8.s32 v1;
	[tilespmem:$0x1FFA0] =	vst v14  }
0x64: {  	v2 =	vunpack.c.0.s8.s32 v2;
	v3 =	vunpack.c.l.s4.s8 v3;
	[tilespmem:$0x1FFB0] =	vst v17;
	v0 =	vand.u32 $0xF, v0  }
0x65: {  	v5 =	vunpack.c.l.s4.s8 v5;
	[tilespmem:$0x1FFC0] =	vst v15;
	v1 =	vsel vm0, v1, v10;
	v0 =	vsel vm1, v0, v6  }
0x66: {  	v3 =	vunpack.c.0.s8.s32 v3;
	v6 =	vimm.s32 $0x54329876;
	[tilespmem:$0x1FE10] =	vst v1;
	v1 =	vsel vm0, v2, v11  }
0x67: {  	[tilespmem:$0x1FFD0] =	vst v20;
	v2 =	vor.u32 $0x2000, v48;
	v6 =	vunpack.c.l.s4.s8 v6;
	v50 =	vsel vm2, v4, v0  }
0x68: {  	[tilespmem:$0x1FFE0] =	vst v21;
	v4 =	vunpack.c.0.s8.s32 v8;
	v8 =	vadd.s32 $0xB, v40;
	v3 =	vand.u32 $0xF, v3  }
0x69: {  	[tilespmem:$0x1FFF0] =	vst v22;
	v0 =	vsel vm1, v3, v9;
	v3 =	vunpack.c.0.s8.s32 v6;
	v6 =	vimm.s32 $0xE0D0C0B  }
0x6a: {  	[tilespmem:$0x1FE30] =	vst v1;
	v4 =	vand.u32 $0xF, v4;
	v53 =	vsel vm2, v7, v0;
	v0 =	vimm.s32 $0xD0C0B0A  }
0x6b: {  	[tilespmem:$0x1FF70] =	vst v2;
	v9 =	vadd.s32 $0xC, v40;
	v3 =	vand.u32 $0xF, v3;
	v0 =	vunpack.c.0.s8.s32 v0  }
0x6c: {  	s14 =	simm.s32 $0xC00;
	[tilespmem:$0x1FF20] =	vst v8;
	v6 =	vunpack.c.0.s8.s32 v6;
	v7 =	vadd.s32 $0xA, v40;
	v3 =	vsel vm1, v3, v10  }
0x6d: {  	s15 =	simm.s32 $0x1000;
	s16 =	simm.s32 $0x1400;
	s17 =	simm.s32 $0x1800;
	[tilespmem:$0x1FF30] =	vst v9;
	v55 =	vsel vm2, v0, v3;
	v0 =	vsel vm1, v4, v11;
	v4 =	vimm.s32 $0x76543210  }
0x6e: {  	s18 =	simm.s32 $0x1C00;
	s19 =	simm.s32 $0x2000;
	s20 =	simm.s32 $0x2400;
	v5 =	vunpack.c.0.s8.s32 v5;
	[tilespmem:$0x1FF00] =	vst v7;
	v10 =	vadd.s32 $0xD, v40;
	v4 =	vunpack.c.l.s4.s8 v4  }
0x6f: {  	s4 =	srdreg.scid;
	s6 =	stileid.u32;
	s21 =	simm.s32 $0x2800;
	v3 =	vimm.s32 $0x98765432;
	[tilespmem:$0x1FF40] =	vst v10;
	v6 =	vsel vm2, v6, v0;
	v0 =	vimm.s32 $0xA9876543  }
0x70: {  	s22 =	simm.s32 $0x2C00;
	s23 =	simm.s32 $0x3000;
	s24 =	simm.s32 $0x3400;
	v3 =	vunpack.c.l.s4.s8 v3;
	[tilespmem:$0x1FF10] =	vst v6;
	v1 =	vunpack.c.0.s8.s32 v4;
	v4 =	vadd.s32 $0x8, v40  }
0x71: {  	s25 =	simm.s32 $0x3800;
	s26 =	simm.s32 $0x3C00;
	s28 =	simm.s32 $0x1;
	v0 =	vunpack.c.l.s4.s8 v0;
	[tilespmem:$0x1FEE0] =	vst v4  }
0x72: {  	s29 =	simm.s32 $0x4000;
	s30 =	simm.s32 $0x2;
	s4 =	sand.u32 $0x1, s4;
	v3 =	vunpack.c.0.s8.s32 v3;
	[tilespmem:$0x1FE40] =	vst v1;
	v1 =	vand.u32 $0xF, v5  }
0x73: {  	s1 =	sadd.s32 $0x400, s1;
	s6 =	sshll.u32 s6, $0x1;
	s7 =	sadd.s32 $0x80, s0;
	v0 =	vunpack.c.0.s8.s32 v0;
	v5 =	vadd.s32 $0x9, v40;
	[tilespmem:$0x1FE50] =	vst v1  }
.Ltmp0:
0x74: {  	s8 =	sadd.s32 $0x100, s0;
	s5 =	ssub.s32 $0x2, s4;
	v1 =	vand.u32 $0xF, v3;
	[tilespmem:$0x1FEF0] =	vst v5;
	(pc) =	sbr.rel .LBB2_1-.Ltmp0, $4  }
0x75: {  	s9 =	sadd.s32 $0x180, s0;
	s13 =	smov.u32 s2;
	s31 =	sshrl.u32 s5, $0x1;
	v0 =	vand.u32 $0xF, v0;
	[tilespmem:$0x1FE60] =	vst v1  }
0x76: {  	s2 =	sadd.s32 $0x3D0800, s2;
	[dreg:$0x4] =	wrdreg s1;
	s1 =	ssub.s32 s5, s31;
	v3 =	vadd.s32 $0x7, v40;
	[tilespmem:$0x1FE70] =	vst v0  }
0x77: {  	s6 =	sor.u32 s4, s6;
	[dreg:$0x5] =	wrdreg s2;
	s1 =	smax.u32 s1, $0x1;
	v1 =	vadd.s32 $0x6, v40;
	[tilespmem:$0x1FED0] =	vst v3  }
0x78: {  	p0 =	sne.s32 s6, $0x0;
	s2 =	simm.s32 $0x0;
	[dreg:$0x6] =	wrdreg s1;
	[tilespmem:$0x1FEC0] =	vst v1  }
.LBB2_7:
0x79: {  	s1 =	simm.s32 @!p0 $0x0;
	s2 =	simm.s32 @!p0 $0x4000;
	s4 =	rddreg [dreg:$0x4]  }
0x7a: {  	[tilespmem:s2], [sflag:$0x3] =	stream.linear.gather @!p0 [hbm4b:s4+s1], $0x800, $0x38;
	[tilespmem:$0x8000] =	vst v63  }
0x7b: {  	s4 =	simm.s32 @!p0 $0x3  }
0x7c: {  	_ =	swait.ge @!p0 [sflag:s4], $0x800  }
0x7d: {  	[sflag:s4] =	ssyncset.done @!p0 $0x0  }
0x7e: {  	s5 =	rddreg [dreg:$0x5];
	[sflag:s4] =	ssyncadd.s32 @!p0 $0xFFFFF800  }
0x7f: {  	[hbm4b:s5+s1] =	stream.linear.scatter @!p0 [tilespmem:s2], [sflag:$0x3], $0x800, $0x38;
	[tilespmem:$0x8000] =	vst v63  }
0x80: {  	_ =	swait.ge @!p0 [sflag:s4], $0x800  }
0x81: {  	s12 =	rddreg [dreg:$0x7]  }
0x82: {  	s31 =	rddreg [dreg:$0x6];
	s2 =	sadd.s32 $0x1, s12  }
0x83: {  	p1 =	sne.s32 s2, s31  }
.Ltmp1:
0x84: {  	_ = 	snop;
	(pc) =	sbr.rel @!p1 .LBB2_8-.Ltmp1, $3  }
0x85: {  	_ =	sdelay $0x1  }
0x86: {  	[sflag:s4] =	ssyncset.done @!p0 $0x0  }
0x87: {  	[sflag:s4] =	ssyncadd.s32 @!p0 $0xFFFFF800  }
.LBB2_1:
.Ltmp2:
0x88: {  	(pc) =	sbr.rel .LBB2_2-.Ltmp2, $2  }
0x89: {  	_ =	sdelay $0x2  }
0x8a: {  	[dreg:$0x7] =	wrdreg s2;
	s1 =	simm.s32 $0x0  }
.LBB2_6:
0x8b: {  	s1 =	sadd.s32 $0x1, s1  }
0x8c: {  	p1 =	sne.s32 s1, $0x3E  }
.Ltmp3:
0x8d: {  	_ = 	snop;
	(pc) =	sbr.rel @!p1 .LBB2_7-.Ltmp3, $1  }
0x8e: {  	_ =	sdelay $0x3  }
.LBB2_2:
0x8f: {  	s4 =	sshll.u32 s1, $0x5  }
0x90: {  	s4 =	sor.u32 s6, s4  }
0x91: {  	p1 =	sgt.u32 s4, $0x7A0  }
.Ltmp4:
0x92: {  	_ = 	snop;
	(pc) =	sbr.rel @p1 .LBB2_6-.Ltmp4, $1  }
0x93: {  	_ =	sdelay $0x3  }
0x94: {  	s10 =	sshll.u32 s4, $0x9  }
0x95: {  	s5 =	simm.s32 $0x0;
	s11 =	sadd.s32 s0, s10  }
0x96: {  	[tilespmem:s5], [sflag:$0x1] =	stream.linear.gather [hbm4b:s11+s5], $0x400, $0x38;
	[tilespmem:$0x8000] =	vst v63  }
0x97: {  	s2 =	simm.s32 $0x400;
	s31 =	sadd.s32 s10, s7  }
0x98: {  	[tilespmem:s2], [sflag:$0x1] =	stream.linear.gather [hbm4b:s31+s5], $0x400, $0x38;
	[tilespmem:$0x8000] =	vst v63  }
0x99: {  	s12 =	sadd.s32 s10, s8;
	s31 =	simm.s32 $0x800  }
0x9a: {  	[tilespmem:s31], [sflag:$0x1] =	stream.linear.gather [hbm4b:s12+s5], $0x400, $0x38;
	[tilespmem:$0x8000] =	vst v63  }
0x9b: {  	s12 =	sadd.s32 s10, s9;
	s10 =	sand.u32 $0x1FFFFE00, s10  }
0x9c: {  	s10 =	sadd.s32 s0, s10  }
0x9d: {  	[tilespmem:s14], [sflag:$0x1] =	stream.linear.gather [hbm4b:s12+s5], $0x400, $0x38;
	[tilespmem:$0x8000] =	vst v63  }
0x9e: {  	s31 =	sadd.s32 $0xF4280, s10  }
0x9f: {  	[tilespmem:s15], [sflag:$0x1] =	stream.linear.gather [hbm4b:s31+s5], $0x400, $0x38;
	[tilespmem:$0x8000] =	vst v63  }
0xa0: {  	s2 =	sadd.s32 $0xF4300, s10  }
0xa1: {  	[tilespmem:s16], [sflag:$0x1] =	stream.linear.gather [hbm4b:s2+s5], $0x400, $0x38;
	[tilespmem:$0x8000] =	vst v63  }
0xa2: {  	s12 =	sadd.s32 $0xF4380, s10  }
0xa3: {  	[tilespmem:s17], [sflag:$0x1] =	stream.linear.gather [hbm4b:s12+s5], $0x400, $0x38;
	[tilespmem:$0x8000] =	vst v63  }
0xa4: {  	s31 =	sadd.s32 $0xF4400, s10  }
0xa5: {  	[tilespmem:s18], [sflag:$0x1] =	stream.linear.gather [hbm4b:s31+s5], $0x400, $0x38;
	[tilespmem:$0x8000] =	vst v63  }
0xa6: {  	s2 =	sadd.s32 $0x1E8500, s10  }
0xa7: {  	[tilespmem:s19], [sflag:$0x1] =	stream.linear.gather [hbm4b:s2+s5], $0x400, $0x38;
	[tilespmem:$0x8000] =	vst v63  }
0xa8: {  	s12 =	sadd.s32 $0x1E8580, s10  }
0xa9: {  	[tilespmem:s20], [sflag:$0x1] =	stream.linear.gather [hbm4b:s12+s5], $0x400, $0x38;
	[tilespmem:$0x8000] =	vst v63  }
0xaa: {  	s31 =	sadd.s32 $0x1E8600, s10  }
0xab: {  	[tilespmem:s21], [sflag:$0x1] =	stream.linear.gather [hbm4b:s31+s5], $0x400, $0x38;
	[tilespmem:$0x8000] =	vst v63  }
0xac: {  	s2 =	sadd.s32 $0x1E8680, s10  }
0xad: {  	[tilespmem:s22], [sflag:$0x1] =	stream.linear.gather [hbm4b:s2+s5], $0x400, $0x38;
	[tilespmem:$0x8000] =	vst v63  }
0xae: {  	s12 =	sadd.s32 $0x2DC780, s10  }
0xaf: {  	[tilespmem:s23], [sflag:$0x1] =	stream.linear.gather [hbm4b:s12+s5], $0x400, $0x38;
	[tilespmem:$0x8000] =	vst v63  }
0xb0: {  	s31 =	sadd.s32 $0x2DC800, s10  }
0xb1: {  	[tilespmem:s24], [sflag:$0x1] =	stream.linear.gather [hbm4b:s31+s5], $0x400, $0x38;
	[tilespmem:$0x8000] =	vst v63  }
0xb2: {  	s2 =	sadd.s32 $0x2DC880, s10  }
0xb3: {  	[tilespmem:s25], [sflag:$0x1] =	stream.linear.gather [hbm4b:s2+s5], $0x400, $0x38;
	[tilespmem:$0x8000] =	vst v63  }
0xb4: {  	s10 =	sadd.s32 $0x2DC900, s10  }
0xb5: {  	[tilespmem:s26], [sflag:$0x1] =	stream.linear.gather [hbm4b:s10+s5], $0x400, $0x38;
	[tilespmem:$0x8000] =	vst v63  }
0xb6: {  	_ =	swait.ge [sflag:s28], $0x400  }
0xb7: {  	[sflag:s28] =	ssyncset.done $0x0  }
0xb8: {  	[sflag:s28] =	ssyncadd.s32 $0xFFFFFC00  }
0xb9: {  	_ =	swait.ge [sflag:s28], $0x400  }
0xba: {  	[sflag:s28] =	ssyncset.done $0x0  }
0xbb: {  	[sflag:s28] =	ssyncadd.s32 $0xFFFFFC00  }
0xbc: {  	_ =	swait.ge [sflag:s28], $0x400  }
0xbd: {  	[sflag:s28] =	ssyncset.done $0x0  }
0xbe: {  	[sflag:s28] =	ssyncadd.s32 $0xFFFFFC00  }
0xbf: {  	_ =	swait.ge [sflag:s28], $0x400  }
0xc0: {  	[sflag:s28] =	ssyncset.done $0x0  }
0xc1: {  	[sflag:s28] =	ssyncadd.s32 $0xFFFFFC00  }
0xc2: {  	_ =	swait.ge [sflag:s28], $0x400  }
0xc3: {  	[sflag:s28] =	ssyncset.done $0x0  }
0xc4: {  	[sflag:s28] =	ssyncadd.s32 $0xFFFFFC00  }
0xc5: {  	_ =	swait.ge [sflag:s28], $0x400  }
0xc6: {  	[sflag:s28] =	ssyncset.done $0x0  }
0xc7: {  	[sflag:s28] =	ssyncadd.s32 $0xFFFFFC00  }
0xc8: {  	_ =	swait.ge [sflag:s28], $0x400  }
0xc9: {  	[sflag:s28] =	ssyncset.done $0x0  }
0xca: {  	[sflag:s28] =	ssyncadd.s32 $0xFFFFFC00  }
0xcb: {  	_ =	swait.ge [sflag:s28], $0x400  }
0xcc: {  	[sflag:s28] =	ssyncset.done $0x0  }
0xcd: {  	[sflag:s28] =	ssyncadd.s32 $0xFFFFFC00  }
0xce: {  	_ =	swait.ge [sflag:s28], $0x400  }
0xcf: {  	[sflag:s28] =	ssyncset.done $0x0  }
0xd0: {  	[sflag:s28] =	ssyncadd.s32 $0xFFFFFC00  }
0xd1: {  	_ =	swait.ge [sflag:s28], $0x400  }
0xd2: {  	[sflag:s28] =	ssyncset.done $0x0  }
0xd3: {  	[sflag:s28] =	ssyncadd.s32 $0xFFFFFC00  }
0xd4: {  	_ =	swait.ge [sflag:s28], $0x400  }
0xd5: {  	[sflag:s28] =	ssyncset.done $0x0  }
0xd6: {  	[sflag:s28] =	ssyncadd.s32 $0xFFFFFC00  }
0xd7: {  	_ =	swait.ge [sflag:s28], $0x400  }
0xd8: {  	[sflag:s28] =	ssyncset.done $0x0  }
0xd9: {  	[sflag:s28] =	ssyncadd.s32 $0xFFFFFC00  }
0xda: {  	_ =	swait.ge [sflag:s28], $0x400  }
0xdb: {  	[sflag:s28] =	ssyncset.done $0x0  }
0xdc: {  	s12 =	simm.s32 $0x0;
	[sflag:s28] =	ssyncadd.s32 $0xFFFFFC00  }
0xdd: {  	v0 =	vmov s12;
	_ =	swait.ge [sflag:s28], $0x400  }
0xde: {  	v12 =	vmov v22;
	v22 =	vshll.u32 v0, $0xA;
	s5 =	sand.u32 $0x70, s5;
	[sflag:s28] =	ssyncset.done $0x0  }
0xdf: {  	v26 =	vmovc v28;
	v28 =	vmovc v1;
	v29 =	vmov v3;
	v0 =	vadd.s32 v48, v22;
	v1 =	vor.u32 s5, v40;
	[sflag:s28] =	ssyncadd.s32 $0xFFFFFC00  }
0xe0: {  	v30 =	vmovc v4;
	v3 =	vadd.s32 v44, v22;
	v4 =	vadd.s32 v47, v22;
	v0 =	vor.u32 v1, v0;
	_ =	swait.ge [sflag:s28], $0x400  }
0xe1: {  	v20 =	vmovc v5;
	v5 =	vadd.s32 v43, v22;
	v3 =	vor.u32 v1, v3;
	v0 =	vor.u32 v31, v0;
	[sflag:s28] =	ssyncset.done $0x0  }
0xe2: {  	v46 =	vmovc v7;
	v6 =	vadd.s32 v59, v22;
	v4 =	vor.u32 v1, v4;
	v3 =	vor.u32 v35, v3;
	[sflag:s28] =	ssyncadd.s32 $0xFFFFFC00  }
0xe3: {  	v25 =	vmovc v2;
	v7 =	vadd.s32 v45, v22;
	v5 =	vor.u32 v1, v5;
	v4 =	vor.u32 v32, v4;
	_ =	swait.ge [sflag:s28], $0x400  }
0xe4: {  	v2 =	vmovc v8;
	v8 =	vadd.s32 v56, v22;
	v6 =	vor.u32 v1, v6;
	v5 =	vor.u32 v36, v5;
	[sflag:s28] =	ssyncset.done $0x0  }
0xe5: {  	v23 =	vmovc v9;
	s31 =	simm.s32 $0x0;
	v9 =	vadd.s32 v49, v22;
	v7 =	vor.u32 v1, v7;
	v6 =	vor.u32 v33, v6;
	[sflag:s28] =	ssyncadd.s32 $0xFFFFFC00  }
0xe6: {  	v21 =	vmovc v10;
	v8 =	vor.u32 v1, v8;
	v10 =	vor.u32 s31, v1;
	v7 =	vor.u32 v34, v7;
	v0 =	vld.idx.msk [tilespmem:v0+s3+$0x0], $0xffff  }
0xe7: {  	v9 =	vor.u32 v1, v9;
	v11 =	vor.u32 v38, v8;
	v8 =	vshll.u32 v10, $0x5;
	v3 =	vld.idx.msk [tilespmem:v3+s3+$0x0], $0xffff  }
0xe8: {  	v9 =	vor.u32 v37, v9;
	v10 =	vor.u32 v40, v8;
	v4 =	vld.idx.msk [tilespmem:v4+s3+$0x0], $0xffff  }
0xe9: {  	v12 =	vor.u32 v12, v8;
	v5 =	vld.idx.msk [tilespmem:v5+s3+$0x0], $0xffff  }
0xea: {  	v14 =	vor.u32 v19, v8;
	v6 =	vld.idx.msk [tilespmem:v6+s3+$0x0], $0xffff  }
0xeb: {  	v13 =	vadd.s32 v54, v22;
	v16 =	vor.u32 v16, v8;
	v7 =	vld.idx.msk [tilespmem:v7+s3+$0x0], $0xffff  }
0xec: {  	v15 =	vadd.s32 v52, v22;
	v17 =	vadd.s32 v62, v22;
	v18 =	vor.u32 v18, v8;
	v11 =	vld.idx.msk [tilespmem:v11+s3+$0x0], $0xffff  }
0xed: {  	v13 =	vor.u32 v1, v13;
	v9 =	vld.idx.msk [tilespmem:v9+s3+$0x0], $0xffff;
	[tilespmem:v10+s29+$0x0] =	vst.idx.msk $0xffff, v0;
	v0 =	vor.u32 v27, v8  }
0xee: {  	v15 =	vor.u32 v1, v15;
	[tilespmem:v12+s29+$0x0] =	vst.idx.msk $0xffff, v4;
	v4 =	vor.u32 v28, v8  }
0xef: {  	v17 =	vor.u32 v1, v17;
	v10 =	vadd.s32 v24, v22;
	[tilespmem:v14+s29+$0x0] =	vst.idx.msk $0xffff, v6  }
0xf0: {  	v12 =	vadd.s32 v51, v22;
	v6 =	vor.u32 v29, v8;
	[tilespmem:v16+s29+$0x0] =	vst.idx.msk $0xffff, v7  }
0xf1: {  	v10 =	vor.u32 v1, v10;
	v7 =	vor.u32 v33, v13;
	[tilespmem:v18+s29+$0x0] =	vst.idx.msk $0xffff, v3  }
0xf2: {  	v12 =	vor.u32 v1, v12;
	v3 =	vor.u32 v32, v15;
	[tilespmem:v0+s29+$0x0] =	vst.idx.msk $0xffff, v5  }
0xf3: {  	v13 =	vadd.s32 v42, v22;
	[tilespmem:v4+s29+$0x0] =	vst.idx.msk $0xffff, v9;
	v4 =	vor.u32 v31, v10  }
0xf4: {  	v16 =	vor.u32 v2, v8;
	v0 =	vor.u32 v38, v17;
	v5 =	vadd.s32 v63, v22  }
0xf5: {  	v2 =	vld [tilespmem:$0x1FE80];
	v9 =	vor.u32 v1, v13;
	[tilespmem:v6+s29+$0x0] =	vst.idx.msk $0xffff, v11;
	v6 =	vor.u32 v35, v12  }
0xf6: {  	v5 =	vor.u32 v1, v5;
	v10 =	vadd.s32 v39, v22;
	v9 =	vor.u32 v36, v9;
	v7 =	vld.idx.msk [tilespmem:v7+s3+$0x0], $0xffff  }
0xf7: {  	v10 =	vor.u32 v1, v10;
	v5 =	vor.u32 v34, v5;
	v3 =	vld.idx.msk [tilespmem:v3+s3+$0x0], $0xffff  }
0xf8: {  	v11 =	vor.u32 v30, v8;
	v10 =	vor.u32 v37, v10;
	v4 =	vld.idx.msk [tilespmem:v4+s3+$0x0], $0xffff  }
0xf9: {  	v12 =	vor.u32 v20, v8;
	v0 =	vld.idx.msk [tilespmem:v0+s3+$0x0], $0xffff  }
0xfa: {  	v14 =	vor.u32 v46, v8;
	v6 =	vld.idx.msk [tilespmem:v6+s3+$0x0], $0xffff  }
0xfb: {  	v9 =	vld.idx.msk [tilespmem:v9+s3+$0x0], $0xffff  }
0xfc: {  	v5 =	vld.idx.msk [tilespmem:v5+s3+$0x0], $0xffff  }
0xfd: {  	v10 =	vld.idx.msk [tilespmem:v10+s3+$0x0], $0xffff;
	[tilespmem:v11+s29+$0x0] =	vst.idx.msk $0xffff, v4  }
0xfe: {  	[tilespmem:v12+s29+$0x0] =	vst.idx.msk $0xffff, v3  }
0xff: {  	[tilespmem:v14+s29+$0x0] =	vst.idx.msk $0xffff, v7;
	v7 =	vor.u32 v2, v8;
	v2 =	vld [tilespmem:$0x1FD10];
	_ =	sdelay $0x2  }
0x100: {  	v18 =	vor.u32 v23, v8;
	v13 =	vadd.s32 v60, v22  }
0x101: {  	v13 =	vor.u32 v1, v13;
	v4 =	vor.u32 v21, v8;
	v3 =	vor.u32 v26, v8  }
0x102: {  	[tilespmem:v16+s29+$0x0] =	vst.idx.msk $0xffff, v5;
	v5 =	vor.u32 v33, v13;
	v13 =	vadd.s32 v2, v22;
	v2 =	vld [tilespmem:$0x1FCF0];
	_ =	sdelay $0x2  }
0x103: {  	[tilespmem:v18+s29+$0x0] =	vst.idx.msk $0xffff, v6  }
0x104: {  	[tilespmem:v4+s29+$0x0] =	vst.idx.msk $0xffff, v9  }
0x105: {  	[tilespmem:v3+s29+$0x0] =	vst.idx.msk $0xffff, v10;
	v10 =	vadd.s32 v2, v22;
	v2 =	vld [tilespmem:$0x1FD00];
	_ =	sdelay $0x1  }
0x106: {  	v11 =	vadd.s32 v58, v22  }
0x107: {  	v11 =	vor.u32 v1, v11;
	[tilespmem:v7+s29+$0x0] =	vst.idx.msk $0xffff, v0  }
0x108: {  	v3 =	vor.u32 v34, v11;
	v11 =	vld.idx.msk [tilespmem:v5+s3+$0x0], $0xffff  }
0x109: {  	v9 =	vor.u32 v1, v13;
	v0 =	vor.u32 v1, v10;
	v10 =	vadd.s32 v2, v22;
	v2 =	vmovc v50;
	v50 =	vld [tilespmem:$0x1FD50]  }
0x10a: {  	v5 =	vor.u32 v36, v9;
	v9 =	vor.u32 v1, v10;
	v10 =	vor.u32 v38, v0;
	v0 =	vld [tilespmem:$0x1FDF0]  }
0x10b: {  	v15 =	vadd.s32 v25, v22  }
0x10c: {  	v15 =	vor.u32 v1, v15  }
0x10d: {  	v12 =	vadd.s32 v41, v22;
	v4 =	vor.u32 v31, v15  }
0x10e: {  	v12 =	vor.u32 v1, v12  }
0x10f: {  	v15 =	vor.u32 v35, v12;
	v12 =	vsel vm0, v0, v50;
	v0 =	vld [tilespmem:$0x1FD40];
	_ =	sdelay $0x2  }
0x110: {  	v17 =	vadd.s32 v61, v22;
	v13 =	vld.idx.msk [tilespmem:v4+s3+$0x0], $0xffff  }
0x111: {  	v17 =	vor.u32 v1, v17;
	v4 =	vmov v53;
	v53 =	vld [tilespmem:$0x1FD80]  }
0x112: {  	v6 =	vor.u32 v32, v17;
	v17 =	vcombine.low v0, v12;
	v0 =	vld [tilespmem:$0x1FE00];
	_ =	sdelay $0x4  }
0x113: {  	v19 =	vsel vm0, v0, v53;
	v0 =	vld [tilespmem:$0x1FEA0];
	_ =	sdelay $0x4  }
0x114: {  	v14 =	vor.u32 v0, v8;
	v0 =	vld [tilespmem:$0x1FD70];
	_ =	sdelay $0x2  }
0x115: {  	v23 =	vld.idx.msk [tilespmem:v6+s3+$0x0], $0xffff  }
0x116: {  	v6 =	vmov v55;
	v55 =	vld [tilespmem:$0x1FDB0]  }
0x117: {  	v20 =	vcombine.low v0, v19;
	v0 =	vld [tilespmem:$0x1FE20];
	_ =	sdelay $0x4  }
0x118: {  	v16 =	vsel vm0, v0, v55;
	v0 =	vld [tilespmem:$0x1FCE0];
	_ =	sdelay $0x4  }
0x119: {  	v18 =	vadd.s32 v0, v22;
	v0 =	vld [tilespmem:$0x1FDA0];
	_ =	sdelay $0x4  }
0x11a: {  	v7 =	vcombine.low v0, v16;
	v0 =	vld [tilespmem:$0x1FD20];
	_ =	sdelay $0x2  }
0x11b: {  	v26 =	vld.idx.msk [tilespmem:v15+s3+$0x0], $0xffff  }
0x11c: {  	v15 =	vld.idx.msk [tilespmem:v5+s3+$0x0], $0xffff  }
0x11d: {  	v5 =	vadd.s32 v0, v22;
	v0 =	vld [tilespmem:$0x1FD30];
	_ =	sdelay $0x4  }
0x11e: {  	v21 =	vor.u32 v1, v18;
	v18 =	vor.u32 v1, v5;
	v5 =	vsel vm0, v50, v0;
	v0 =	vld [tilespmem:$0x1FDD0];
	_ =	sdelay $0x3  }
0x11f: {  	v9 =	vor.u32 v37, v9  }
0x120: {  	[tilespmem:$0x1FC60] =	vst v17;
	v17 =	vor.u32 v17, v8;
	v5 =	vcombine.low v5, v0;
	v0 =	vld [tilespmem:$0x1FCD0]  }
0x121: {  	[tilespmem:$0x1FC70] =	vst v20;
	v20 =	vor.u32 v20, v8  }
0x122: {  	v3 =	vld.idx.msk [tilespmem:v3+s3+$0x0], $0xffff  }
0x123: {  	v24 =	vld.idx.msk [tilespmem:v10+s3+$0x0], $0xffff  }
0x124: {  	v25 =	vld.idx.msk [tilespmem:v9+s3+$0x0], $0xffff;
	[tilespmem:v14+s29+$0x0] =	vst.idx.msk $0xffff, v13  }
0x125: {  	[tilespmem:v17+s29+$0x0] =	vst.idx.msk $0xffff, v23;
	v0 =	vadd.s32 v0, v22  }
0x126: {  	[tilespmem:v20+s29+$0x0] =	vst.idx.msk $0xffff, v11;
	v46 =	vor.u32 v7, v8;
	v20 =	vor.u32 v1, v0;
	v0 =	vld [tilespmem:$0x1FD60];
	_ =	sdelay $0x4  }
0x127: {  	[tilespmem:v46+s29+$0x0] =	vst.idx.msk $0xffff, v3;
	v3 =	vsel vm0, v53, v0;
	v0 =	vld [tilespmem:$0x1FE10];
	_ =	sdelay $0x4  }
0x128: {  	[tilespmem:$0x1FC90] =	vst v5;
	v17 =	vor.u32 v5, v8;
	v5 =	vcombine.low v3, v0;
	v0 =	vld [tilespmem:$0x1FD90];
	_ =	sdelay $0x3  }
0x129: {  	[tilespmem:$0x1FC80] =	vst v7;
	v7 =	vld [tilespmem:$0x1FFE0]  }
0x12a: {  	v9 =	vor.u32 v57, v8;
	v3 =	vsel vm0, v55, v0;
	v0 =	vld [tilespmem:$0x1FFC0];
	_ =	sdelay $0x3  }
0x12b: {  	v13 =	vadd.s32 v7, v22;
	v7 =	vld [tilespmem:$0x1FFD0]  }
0x12c: {  	[tilespmem:v9+s29+$0x0] =	vst.idx.msk $0xffff, v26;
	v9 =	vadd.s32 v0, v22;
	v0 =	vld [tilespmem:$0x1FE30];
	_ =	sdelay $0x4  }
0x12d: {  	v11 =	vadd.s32 v7, v22;
	v7 =	vcombine.low v3, v0;
	v0 =	vld [tilespmem:$0x1FDE0]  }
0x12e: {  	v3 =	vld [tilespmem:$0x1FDC0]  }
0x12f: {  	v14 =	vor.u32 v1, v9;
	v9 =	vld [tilespmem:$0x1FE70];
	_ =	sdelay $0x3  }
0x130: {  	v3 =	vsel vm0, v0, v3;
	v0 =	vld [tilespmem:$0x1FFB0]  }
0x131: {  	v50 =	vor.u32 v1, v13;
	[tilespmem:$0x1FCA0] =	vst v5;
	v13 =	vor.u32 v5, v8;
	v5 =	vcombine.low v16, v9;
	v9 =	vld [tilespmem:$0x1FE40];
	_ =	sdelay $0x3  }
0x132: {  	v10 =	vld [tilespmem:$0x1FFA0];
	[tilespmem:v17+s29+$0x0] =	vst.idx.msk $0xffff, v15;
	v0 =	vadd.s32 v0, v22  }
0x133: {  	[tilespmem:$0x1FCB0] =	vst v7;
	v15 =	vor.u32 v7, v8;
	v7 =	vcombine.low v3, v9;
	v9 =	vor.u32 v1, v0;
	v0 =	vld [tilespmem:$0x1FE50];
	_ =	sdelay $0x4  }
0x134: {  	v10 =	vadd.s32 v10, v22;
	v3 =	vcombine.low v12, v0;
	v0 =	vld [tilespmem:$0x1FE60]  }
0x135: {  	v10 =	vor.u32 v1, v10;
	v11 =	vor.u32 v1, v11;
	v1 =	vld [tilespmem:$0x1FF10];
	_ =	sdelay $0x1  }
0x136: {  	v10 =	vor.u32 v38, v10;
	v21 =	vor.u32 v32, v21  }
0x137: {  	v18 =	vor.u32 v31, v18;
	v11 =	vor.u32 v35, v11;
	[tilespmem:v13+s29+$0x0] =	vst.idx.msk $0xffff, v25  }
0x138: {  	v13 =	vor.u32 v6, v8;
	v16 =	vor.u32 v2, v8;
	v0 =	vcombine.low v19, v0  }
0x139: {  	[tilespmem:v15+s29+$0x0] =	vst.idx.msk $0xffff, v24;
	v15 =	vor.u32 v4, v8;
	v12 =	vor.u32 v1, v8  }
0x13a: {  	s11 =	simm.s32 $0x2;
	s10 =	simm.s32 $0x1;
	s5 =	simm.s32 $0x10;
	v19 =	vor.u32 v33, v20;
	v20 =	vor.u32 v34, v50;
	[tilespmem:$0x1FCC0] =	vst v0;
	v17 =	vor.u32 v0, v8  }
.LBB2_4:
0x13b: {  	_ = 	snop  }
0x13c: {  	s2 =	sshrl.u32 s10, $0x3;
	v21 =	vld.idx.msk [tilespmem:v21+s3+$0x0], $0xffff  }
0x13d: {  	v14 =	vor.u32 v36, v14;
	v25 =	vld.idx.msk [tilespmem:v10+s3+$0x0], $0xffff;
	v24 =	vmov s2  }
0x13e: {  	v22 =	vor.u32 v37, v9;
	v18 =	vld.idx.msk [tilespmem:v18+s3+$0x0], $0xffff;
	v10 =	vshll.u32 v24, $0xA;
	v24 =	vor.u32 v7, v8  }
0x13f: {  	v26 =	vor.u32 v3, v8;
	v19 =	vld.idx.msk [tilespmem:v19+s3+$0x0], $0xffff  }
0x140: {  	v20 =	vld.idx.msk [tilespmem:v20+s3+$0x0], $0xffff  }
0x141: {  	v23 =	vor.u32 v5, v8;
	v11 =	vld.idx.msk [tilespmem:v11+s3+$0x0], $0xffff  }
0x142: {  	v14 =	vld.idx.msk [tilespmem:v14+s3+$0x0], $0xffff  }
0x143: {  	v22 =	vld.idx.msk [tilespmem:v22+s3+$0x0], $0xffff;
	[tilespmem:v24+s29+$0x0] =	vst.idx.msk $0xffff, v18  }
0x144: {  	v0 =	vld [tilespmem:$0x1FF80];
	[tilespmem:v26+s29+$0x0] =	vst.idx.msk $0xffff, v21  }
0x145: {  	[tilespmem:v17+s29+$0x0] =	vst.idx.msk $0xffff, v19  }
0x146: {  	[tilespmem:v23+s29+$0x0] =	vst.idx.msk $0xffff, v20  }
0x147: {  	s12 =	sand.u32 $0x70, s5;
	[tilespmem:v16+s29+$0x0] =	vst.idx.msk $0xffff, v11  }
0x148: {  	v9 =	vor.u32 s12, v40;
	s12 =	sshll.u32 s2, $0x7;
	[tilespmem:v15+s29+$0x0] =	vst.idx.msk $0xffff, v14  }
0x149: {  	v27 =	vor.u32 s12, v9;
	v8 =	vadd.s32 v48, v10;
	[tilespmem:v13+s29+$0x0] =	vst.idx.msk $0xffff, v22;
	v13 =	vadd.s32 v0, v10;
	v0 =	vld [tilespmem:$0x1FFF0]  }
0x14a: {  	v28 =	vadd.s32 v47, v10;
	v29 =	vadd.s32 v49, v10;
	v8 =	vor.u32 v9, v8  }
0x14b: {  	v55 =	vadd.s32 v44, v10;
	v53 =	vor.u32 v31, v8;
	v8 =	vadd.s32 v45, v10  }
0x14c: {  	v28 =	vor.u32 v9, v28;
	v55 =	vor.u32 v9, v55;
	v46 =	vor.u32 v9, v8  }
0x14d: {  	v55 =	vor.u32 v35, v55;
	v8 =	vshll.u32 v27, $0x5;
	v27 =	vor.u32 v34, v46  }
0x14e: {  	v18 =	vadd.s32 v59, v10;
	v46 =	vor.u32 v9, v29;
	v29 =	vor.u32 v0, v8;
	v0 =	vld [tilespmem:$0x1FF70]  }
0x14f: {  	v28 =	vor.u32 v32, v28;
	v18 =	vor.u32 v9, v18  }
0x150: {  	v17 =	vor.u32 v33, v18;
	[tilespmem:v12+s29+$0x0] =	vst.idx.msk $0xffff, v25  }
0x151: {  	v30 =	vadd.s32 v43, v10;
	v12 =	vld.idx.msk [tilespmem:v53+s3+$0x0], $0xffff  }
0x152: {  	v30 =	vor.u32 v9, v30;
	v21 =	vor.u32 v37, v46;
	v20 =	vld.idx.msk [tilespmem:v55+s3+$0x0], $0xffff  }
0x153: {  	v50 =	vmovc v47;
	v47 =	vmov v45;
	v14 =	vor.u32 v36, v30;
	v30 =	vadd.s32 v0, v10;
	v0 =	vld [tilespmem:$0x1FF90]  }
0x154: {  	v45 =	vmovc v44;
	v44 =	vmovc v43;
	v43 =	vmov v49;
	v49 =	vmov v56;
	v56 =	vadd.s32 v56, v10;
	v24 =	vld.idx.msk [tilespmem:v28+s3+$0x0], $0xffff  }
0x155: {  	v1 =	vmov v57;
	v57 =	vadd.s32 v61, v10;
	v56 =	vor.u32 v9, v56;
	v17 =	vld.idx.msk [tilespmem:v17+s3+$0x0], $0xffff  }
0x156: {  	v18 =	vadd.s32 v54, v10;
	v22 =	vor.u32 v38, v56;
	v28 =	vor.u32 v40, v8;
	v27 =	vld.idx.msk [tilespmem:v27+s3+$0x0], $0xffff  }
0x157: {  	v19 =	vadd.s32 v52, v10;
	v23 =	vadd.s32 v63, v10;
	v55 =	vadd.s32 v39, v10;
	v21 =	vld.idx.msk [tilespmem:v21+s3+$0x0], $0xffff  }
0x158: {  	v16 =	vadd.s32 v62, v10;
	v25 =	vor.u32 v9, v55;
	v55 =	vor.u32 v0, v8;
	v0 =	vld [tilespmem:$0x1FF50]  }
0x159: {  	v46 =	vmovc v51;
	v11 =	vor.u32 v9, v19;
	v19 =	vadd.s32 v42, v10;
	v15 =	vor.u32 v9, v16;
	v40 =	vld [tilespmem:$0x1FF60]  }
0x15a: {  	v16 =	vadd.s32 v51, v10;
	v51 =	vmovc v42;
	v42 =	vmov v39;
	v56 =	vadd.s32 v60, v10;
	v14 =	vld.idx.msk [tilespmem:v14+s3+$0x0], $0xffff  }
0x15b: {  	v26 =	vor.u32 v9, v56;
	v53 =	vor.u32 v9, v57;
	v22 =	vld.idx.msk [tilespmem:v22+s3+$0x0], $0xffff;
	[tilespmem:v28+s29+$0x0] =	vst.idx.msk $0xffff, v12  }
0x15c: {  	v57 =	vadd.s32 v58, v10;
	v39 =	vmovc v62;
	v62 =	vmov v60;
	v60 =	vmov v41;
	[tilespmem:v29+s29+$0x0] =	vst.idx.msk $0xffff, v24  }
0x15d: {  	v12 =	vld [tilespmem:$0x1FEB0];
	v56 =	vor.u32 v0, v8;
	v0 =	vmovc v48;
	v48 =	vmovc v59;
	v59 =	vmov v52;
	v52 =	vmov v54  }
0x15e: {  	v54 =	vmovc v63;
	v63 =	vmovc v61;
	v61 =	vmov v58;
	v58 =	vadd.s32 v41, v10;
	v41 =	vor.u32 v40, v8;
	v40 =	vld [tilespmem:$0x1FEC0]  }
0x15f: {  	[tilespmem:v55+s29+$0x0] =	vst.idx.msk $0xffff, v17;
	v17 =	vld [tilespmem:$0x1FED0];
	_ =	sdelay $0x2  }
0x160: {  	v12 =	vor.u32 v12, v8  }
0x161: {  	v24 =	vor.u32 v40, v8  }
0x162: {  	v17 =	vor.u32 v17, v8  }
0x163: {  	v11 =	vor.u32 v32, v11;
	[tilespmem:v56+s29+$0x0] =	vst.idx.msk $0xffff, v27  }
0x164: {  	[tilespmem:v41+s29+$0x0] =	vst.idx.msk $0xffff, v20  }
0x165: {  	[tilespmem:v12+s29+$0x0] =	vst.idx.msk $0xffff, v14;
	v14 =	vld [tilespmem:$0x1FCE0]  }
0x166: {  	[tilespmem:v24+s29+$0x0] =	vst.idx.msk $0xffff, v21  }
0x167: {  	v29 =	vld [tilespmem:$0x1FCF0];
	[tilespmem:v17+s29+$0x0] =	vst.idx.msk $0xffff, v22  }
0x168: {  	v21 =	vld.idx.msk [tilespmem:v11+s3+$0x0], $0xffff  }
0x169: {  	v11 =	vld [tilespmem:$0x1FCD0]  }
0x16a: {  	v19 =	vor.u32 v9, v19;
	v28 =	vld [tilespmem:$0x1FD10];
	v14 =	vadd.s32 v14, v10  }
0x16b: {  	v55 =	vld [tilespmem:$0x1FFD0];
	v17 =	vor.u32 v9, v14;
	v14 =	vor.u32 v36, v19  }
0x16c: {  	v56 =	vld [tilespmem:$0x1FFC0]  }
0x16d: {  	v18 =	vor.u32 v9, v18;
	v40 =	vld [tilespmem:$0x1FF00]  }
0x16e: {  	v18 =	vor.u32 v33, v18;
	v29 =	vadd.s32 v29, v10;
	v20 =	vld [tilespmem:$0x1FD00];
	v11 =	vadd.s32 v11, v10  }
0x16f: {  	v27 =	vor.u32 v9, v29;
	v29 =	vor.u32 v9, v11;
	v11 =	vld [tilespmem:$0x1FEE0]  }
0x170: {  	v24 =	vadd.s32 v55, v10;
	v55 =	vld.idx.msk [tilespmem:v14+s3+$0x0], $0xffff  }
0x171: {  	v23 =	vor.u32 v9, v23;
	v14 =	vld [tilespmem:$0x1FEF0]  }
0x172: {  	v13 =	vor.u32 v9, v13;
	v12 =	vor.u32 v38, v15;
	v22 =	vor.u32 v34, v23;
	v23 =	vld [tilespmem:$0x1FFE0]  }
0x173: {  	v16 =	vor.u32 v9, v16;
	v13 =	vor.u32 v31, v13;
	v20 =	vadd.s32 v20, v10;
	v18 =	vld.idx.msk [tilespmem:v18+s3+$0x0], $0xffff  }
0x174: {  	v16 =	vor.u32 v35, v16;
	v15 =	vor.u32 v9, v20;
	v20 =	vld [tilespmem:$0x1FFA0]  }
0x175: {  	v19 =	vld [tilespmem:$0x1FD20];
	v41 =	vor.u32 v11, v8;
	v11 =	vor.u32 v9, v24;
	v24 =	vadd.s32 v56, v10  }
0x176: {  	v56 =	vor.u32 v14, v8;
	v14 =	vor.u32 v9, v24;
	v24 =	vor.u32 v40, v8;
	v40 =	vld [tilespmem:$0x1FFB0]  }
0x177: {  	v25 =	vor.u32 v37, v25;
	v12 =	vld.idx.msk [tilespmem:v12+s3+$0x0], $0xffff  }
0x178: {  	v28 =	vadd.s32 v28, v10;
	v13 =	vld.idx.msk [tilespmem:v13+s3+$0x0], $0xffff  }
0x179: {  	v57 =	vor.u32 v9, v57;
	v30 =	vor.u32 v9, v30;
	v28 =	vor.u32 v9, v28;
	v16 =	vld.idx.msk [tilespmem:v16+s3+$0x0], $0xffff  }
0x17a: {  	v58 =	vor.u32 v9, v58;
	v23 =	vadd.s32 v23, v10;
	v22 =	vld.idx.msk [tilespmem:v22+s3+$0x0], $0xffff;
	v20 =	vadd.s32 v20, v10  }
0x17b: {  	v23 =	vor.u32 v9, v23;
	v19 =	vadd.s32 v19, v10;
	v10 =	vadd.s32 v40, v10;
	v40 =	vld [tilespmem:$0x1FF20]  }
0x17c: {  	v20 =	vor.u32 v9, v20;
	v19 =	vor.u32 v9, v19;
	v9 =	vor.u32 v9, v10;
	v10 =	vld.idx.msk [tilespmem:v25+s3+$0x0], $0xffff  }
0x17d: {  	v25 =	vld [tilespmem:$0x1FF30]  }
0x17e: {  	[tilespmem:v41+s29+$0x0] =	vst.idx.msk $0xffff, v13;
	v13 =	vld [tilespmem:$0x1FF40]  }
0x17f: {  	[tilespmem:v56+s29+$0x0] =	vst.idx.msk $0xffff, v21;
	v21 =	vld [tilespmem:$0x1FE90]  }
0x180: {  	[tilespmem:v24+s29+$0x0] =	vst.idx.msk $0xffff, v18;
	v18 =	vld [tilespmem:$0x1FE80]  }
0x181: {  	v40 =	vor.u32 v40, v8  }
0x182: {  	v25 =	vor.u32 v25, v8  }
0x183: {  	v13 =	vor.u32 v13, v8  }
0x184: {  	v21 =	vor.u32 v21, v8  }
0x185: {  	v18 =	vor.u32 v18, v8  }
0x186: {  	[tilespmem:v40+s29+$0x0] =	vst.idx.msk $0xffff, v22  }
0x187: {  	[tilespmem:v25+s29+$0x0] =	vst.idx.msk $0xffff, v16  }
0x188: {  	[tilespmem:v13+s29+$0x0] =	vst.idx.msk $0xffff, v55  }
0x189: {  	[tilespmem:v21+s29+$0x0] =	vst.idx.msk $0xffff, v10  }
0x18a: {  	[tilespmem:v18+s29+$0x0] =	vst.idx.msk $0xffff, v12;
	v12 =	vor.u32 v35, v58;
	v58 =	vmov v61;
	v61 =	vmov v63  }
0x18b: {  	v63 =	vmovc v54;
	v54 =	vmovc v52;
	v52 =	vmov v59;
	v59 =	vmov v48;
	v48 =	vmov v0;
	v0 =	vld [tilespmem:$0x1FEA0];
	_ =	sdelay $0x3  }
0x18c: {  	v41 =	vmov v60;
	v60 =	vmov v62  }
0x18d: {  	v62 =	vmovc v39;
	v39 =	vmovc v42;
	v42 =	vmov v51;
	v51 =	vmov v46;
	v46 =	vor.u32 v0, v8;
	v0 =	vld [tilespmem:$0x1FC60];
	_ =	sdelay $0x3  }
0x18e: {  	v21 =	vor.u32 v36, v28;
	v25 =	vld.idx.msk [tilespmem:v12+s3+$0x0], $0xffff  }
0x18f: {  	v12 =	vor.u32 v0, v8;
	v0 =	vld [tilespmem:$0x1FC70];
	_ =	sdelay $0x2  }
0x190: {  	v56 =	vmov v49;
	v49 =	vmov v43;
	v22 =	vor.u32 v33, v26  }
0x191: {  	v43 =	vmovc v44;
	v44 =	vmovc v45;
	v45 =	vmov v47;
	v47 =	vmov v50;
	v13 =	vor.u32 v31, v30;
	v50 =	vld.idx.msk [tilespmem:v21+s3+$0x0], $0xffff  }
0x192: {  	v21 =	vor.u32 v0, v8;
	v0 =	vld [tilespmem:$0x1FC80]  }
0x193: {  	v15 =	vor.u32 v37, v15  }
0x194: {  	v16 =	vor.u32 v32, v53  }
0x195: {  	v10 =	vor.u32 v34, v57;
	v18 =	vld.idx.msk [tilespmem:v22+s3+$0x0], $0xffff  }
0x196: {  	v22 =	vor.u32 v38, v27;
	v13 =	vld.idx.msk [tilespmem:v13+s3+$0x0], $0xffff  }
0x197: {  	v53 =	vor.u32 v0, v8;
	v0 =	vld [tilespmem:$0x1FC90]  }
0x198: {  	v15 =	vld.idx.msk [tilespmem:v15+s3+$0x0], $0xffff  }
0x199: {  	v16 =	vld.idx.msk [tilespmem:v16+s3+$0x0], $0xffff  }
0x19a: {  	v10 =	vld.idx.msk [tilespmem:v10+s3+$0x0], $0xffff  }
0x19b: {  	v22 =	vld.idx.msk [tilespmem:v22+s3+$0x0], $0xffff  }
0x19c: {  	[tilespmem:v46+s29+$0x0] =	vst.idx.msk $0xffff, v13;
	v13 =	vor.u32 v0, v8;
	v0 =	vld [tilespmem:$0x1FCA0];
	_ =	sdelay $0x4  }
0x19d: {  	[tilespmem:v12+s29+$0x0] =	vst.idx.msk $0xffff, v16;
	v16 =	vor.u32 v0, v8;
	v0 =	vld [tilespmem:$0x1FCB0];
	_ =	sdelay $0x4  }
0x19e: {  	v55 =	vor.u32 v0, v8;
	v0 =	vld [tilespmem:$0x1FF10];
	_ =	sdelay $0x1  }
0x19f: {  	v28 =	vor.u32 v1, v8;
	_ =	sdelay $0x2  }
0x1a0: {  	p1 =	sne.s32 s11, $0x1F;
	[tilespmem:v21+s29+$0x0] =	vst.idx.msk $0xffff, v18;
	v12 =	vor.u32 v0, v8;
	v0 =	vld [tilespmem:$0x1FCC0]  }
.Ltmp5:
0x1a1: {  	v11 =	vor.u32 v35, v11;
	v21 =	vor.u32 v32, v17;
	[tilespmem:v53+s29+$0x0] =	vst.idx.msk $0xffff, v10;
	(pc) =	sbr.rel @p1 .LBB2_4-.Ltmp5, $4  }
0x1a2: {  	v18 =	vor.u32 v31, v19;
	v19 =	vor.u32 v33, v29;
	[tilespmem:v28+s29+$0x0] =	vst.idx.msk $0xffff, v25  }
0x1a3: {  	v10 =	vor.u32 v38, v20;
	v20 =	vor.u32 v34, v23;
	[tilespmem:v13+s29+$0x0] =	vst.idx.msk $0xffff, v50  }
0x1a4: {  	s31 =	sadd.s32 $0x1, s11;
	v13 =	vor.u32 v6, v8;
	[tilespmem:v16+s29+$0x0] =	vst.idx.msk $0xffff, v15;
	v15 =	vor.u32 v4, v8  }
0x1a5: {  	s10 =	smov.u32 s11;
	s5 =	sadd.s32 $0x10, s5;
	s11 =	smov.u32 s31;
	v40 =	vlaneseq.u32;
	v57 =	vmovc v1;
	v16 =	vor.u32 v2, v8;
	[tilespmem:v55+s29+$0x0] =	vst.idx.msk $0xffff, v22;
	v17 =	vor.u32 v0, v8  }
0x1a6: {  	_ =	sdelay $0x3  }
0x1a7: {  	v21 =	vld.idx.msk [tilespmem:v21+s3+$0x0], $0xffff  }
0x1a8: {  	v14 =	vor.u32 v36, v14;
	v10 =	vld.idx.msk [tilespmem:v10+s3+$0x0], $0xffff  }
0x1a9: {  	v9 =	vor.u32 v37, v9;
	v18 =	vld.idx.msk [tilespmem:v18+s3+$0x0], $0xffff;
	v22 =	vor.u32 v7, v8  }
0x1aa: {  	v19 =	vld.idx.msk [tilespmem:v19+s3+$0x0], $0xffff;
	v23 =	vor.u32 v3, v8  }
0x1ab: {  	v20 =	vld.idx.msk [tilespmem:v20+s3+$0x0], $0xffff  }
0x1ac: {  	v11 =	vld.idx.msk [tilespmem:v11+s3+$0x0], $0xffff;
	v24 =	vor.u32 v5, v8  }
0x1ad: {  	s2 =	sshrl.u32 s10, $0x3;
	v14 =	vld.idx.msk [tilespmem:v14+s3+$0x0], $0xffff  }
0x1ae: {  	v8 =	vmov s2;
	v25 =	vld.idx.msk [tilespmem:v9+s3+$0x0], $0xffff;
	[tilespmem:v22+s29+$0x0] =	vst.idx.msk $0xffff, v18  }
0x1af: {  	s5 =	sand.u32 $0x70, s5;
	v9 =	vshll.u32 v8, $0xA;
	[tilespmem:v23+s29+$0x0] =	vst.idx.msk $0xffff, v21  }
0x1b0: {  	v8 =	vor.u32 s5, v40;
	v18 =	vadd.s32 v48, v9;
	[tilespmem:v17+s29+$0x0] =	vst.idx.msk $0xffff, v19  }
0x1b1: {  	v18 =	vor.u32 v8, v18;
	[tilespmem:v24+s29+$0x0] =	vst.idx.msk $0xffff, v20;
	v20 =	vadd.s32 v44, v9  }
0x1b2: {  	v18 =	vor.u32 v31, v18;
	v20 =	vor.u32 v8, v20  }
0x1b3: {  	[tilespmem:v16+s29+$0x0] =	vst.idx.msk $0xffff, v11;
	v20 =	vor.u32 v35, v20  }
0x1b4: {  	v0 =	vld [tilespmem:$0x1FFF0];
	v21 =	vadd.s32 v45, v9;
	v19 =	vadd.s32 v43, v9;
	[tilespmem:v15+s29+$0x0] =	vst.idx.msk $0xffff, v14  }
0x1b5: {  	v46 =	vor.u32 v8, v21;
	v16 =	vadd.s32 v59, v9;
	[tilespmem:v13+s29+$0x0] =	vst.idx.msk $0xffff, v25  }
0x1b6: {  	s2 =	sshll.u32 s2, $0x7;
	v19 =	vor.u32 v8, v19;
	v14 =	vor.u32 v8, v16;
	[tilespmem:v12+s29+$0x0] =	vst.idx.msk $0xffff, v10  }
0x1b7: {  	v16 =	vor.u32 s2, v8;
	v10 =	vadd.s32 v49, v9;
	v12 =	vor.u32 v34, v46;
	v46 =	vld.idx.msk [tilespmem:v18+s3+$0x0], $0xffff  }
0x1b8: {  	v15 =	vor.u32 v36, v19;
	v18 =	vor.u32 v8, v10;
	v10 =	vshll.u32 v16, $0x5;
	v19 =	vld.idx.msk [tilespmem:v20+s3+$0x0], $0xffff  }
0x1b9: {  	v20 =	vor.u32 v0, v10;
	v0 =	vld [tilespmem:$0x1FF90]  }
0x1ba: {  	v17 =	vadd.s32 v47, v9  }
0x1bb: {  	v17 =	vor.u32 v8, v17  }
0x1bc: {  	v17 =	vor.u32 v32, v17;
	_ =	sdelay $0x1  }
0x1bd: {  	v11 =	vadd.s32 v56, v9;
	v21 =	vor.u32 v0, v10;
	v0 =	vld [tilespmem:$0x1FF50]  }
0x1be: {  	v11 =	vor.u32 v8, v11;
	v14 =	vor.u32 v33, v14  }
0x1bf: {  	v11 =	vor.u32 v38, v11  }
0x1c0: {  	v17 =	vld.idx.msk [tilespmem:v17+s3+$0x0], $0xffff  }
0x1c1: {  	v16 =	vor.u32 v37, v18;
	v15 =	vld.idx.msk [tilespmem:v15+s3+$0x0], $0xffff  }
0x1c2: {  	v18 =	vor.u32 v40, v10;
	v22 =	vor.u32 v0, v10;
	v0 =	vld [tilespmem:$0x1FF60]  }
0x1c3: {  	v14 =	vld.idx.msk [tilespmem:v14+s3+$0x0], $0xffff  }
0x1c4: {  	v11 =	vld.idx.msk [tilespmem:v11+s3+$0x0], $0xffff  }
0x1c5: {  	v12 =	vld.idx.msk [tilespmem:v12+s3+$0x0], $0xffff  }
0x1c6: {  	v16 =	vld.idx.msk [tilespmem:v16+s3+$0x0], $0xffff  }
0x1c7: {  	[tilespmem:v18+s29+$0x0] =	vst.idx.msk $0xffff, v46;
	v18 =	vor.u32 v0, v10;
	v0 =	vld [tilespmem:$0x1FEB0];
	_ =	sdelay $0x3  }
0x1c8: {  	[tilespmem:v20+s29+$0x0] =	vst.idx.msk $0xffff, v17  }
0x1c9: {  	[tilespmem:v21+s29+$0x0] =	vst.idx.msk $0xffff, v14;
	v14 =	vor.u32 v0, v10;
	v0 =	vld [tilespmem:$0x1FEC0];
	_ =	sdelay $0x4  }
0x1ca: {  	v21 =	vor.u32 v0, v10;
	v0 =	vld [tilespmem:$0x1FF80];
	_ =	sdelay $0x3  }
0x1cb: {  	v46 =	vadd.s32 v54, v9  }
0x1cc: {  	v13 =	vor.u32 v8, v46;
	v46 =	vadd.s32 v0, v9;
	v0 =	vld [tilespmem:$0x1FED0];
	_ =	sdelay $0x4  }
0x1cd: {  	[tilespmem:v22+s29+$0x0] =	vst.idx.msk $0xffff, v12;
	v22 =	vor.u32 v0, v10;
	v0 =	vld [tilespmem:$0x1FEE0]  }
0x1ce: {  	v30 =	vld [tilespmem:$0x1FF30];
	v20 =	vadd.s32 v62, v9  }
0x1cf: {  	v29 =	vld [tilespmem:$0x1FF40];
	v17 =	vadd.s32 v52, v9;
	v20 =	vor.u32 v8, v20  }
0x1d0: {  	v27 =	vld [tilespmem:$0x1FF70];
	v13 =	vor.u32 v33, v13;
	[tilespmem:v18+s29+$0x0] =	vst.idx.msk $0xffff, v19;
	v19 =	vadd.s32 v42, v9  }
0x1d1: {  	v28 =	vld [tilespmem:$0x1FE90];
	[tilespmem:v14+s29+$0x0] =	vst.idx.msk $0xffff, v15;
	v12 =	vor.u32 v8, v46;
	v46 =	vor.u32 v38, v20  }
0x1d2: {  	[tilespmem:v21+s29+$0x0] =	vst.idx.msk $0xffff, v16;
	v16 =	vor.u32 v8, v19;
	v19 =	vor.u32 v0, v10;
	v0 =	vld [tilespmem:$0x1FEF0]  }
0x1d3: {  	v26 =	vld [tilespmem:$0x1FE80];
	v17 =	vor.u32 v8, v17  }
0x1d4: {  	v1 =	vld [tilespmem:$0x1FC80];
	v15 =	vadd.s32 v63, v9;
	v12 =	vor.u32 v31, v12;
	[tilespmem:v22+s29+$0x0] =	vst.idx.msk $0xffff, v11  }
0x1d5: {  	v17 =	vor.u32 v32, v17;
	v18 =	vadd.s32 v51, v9;
	v15 =	vor.u32 v8, v15;
	v13 =	vld.idx.msk [tilespmem:v13+s3+$0x0], $0xffff  }
0x1d6: {  	v18 =	vor.u32 v8, v18;
	v15 =	vor.u32 v34, v15;
	v16 =	vor.u32 v36, v16;
	v14 =	vld.idx.msk [tilespmem:v46+s3+$0x0], $0xffff  }
0x1d7: {  	v11 =	vor.u32 v35, v18;
	v18 =	vadd.s32 v39, v9;
	v20 =	vor.u32 v0, v10;
	v0 =	vld [tilespmem:$0x1FF00]  }
0x1d8: {  	v18 =	vor.u32 v8, v18;
	v46 =	vld [tilespmem:$0x1FF20]  }
0x1d9: {  	v12 =	vld.idx.msk [tilespmem:v12+s3+$0x0], $0xffff;
	v18 =	vor.u32 v37, v18  }
0x1da: {  	v17 =	vld.idx.msk [tilespmem:v17+s3+$0x0], $0xffff  }
0x1db: {  	v16 =	vld.idx.msk [tilespmem:v16+s3+$0x0], $0xffff  }
0x1dc: {  	v15 =	vld.idx.msk [tilespmem:v15+s3+$0x0], $0xffff;
	v21 =	vor.u32 v0, v10  }
0x1dd: {  	v11 =	vld.idx.msk [tilespmem:v11+s3+$0x0], $0xffff;
	v22 =	vor.u32 v46, v10  }
0x1de: {  	v18 =	vld.idx.msk [tilespmem:v18+s3+$0x0], $0xffff;
	[tilespmem:v19+s29+$0x0] =	vst.idx.msk $0xffff, v12;
	v12 =	vor.u32 v30, v10;
	v19 =	vadd.s32 v27, v9  }
0x1df: {  	v19 =	vor.u32 v8, v19;
	[tilespmem:v20+s29+$0x0] =	vst.idx.msk $0xffff, v17;
	v17 =	vor.u32 v29, v10  }
0x1e0: {  	v53 =	vmov v4;
	v24 =	vld [tilespmem:$0x1FD10];
	v4 =	vor.u32 v1, v10;
	v19 =	vor.u32 v31, v19  }
0x1e1: {  	v20 =	vor.u32 v28, v10;
	[tilespmem:v21+s29+$0x0] =	vst.idx.msk $0xffff, v13;
	v13 =	vadd.s32 v60, v9  }
0x1e2: {  	v23 =	vld [tilespmem:$0x1FCF0];
	v13 =	vor.u32 v8, v13;
	[tilespmem:v22+s29+$0x0] =	vst.idx.msk $0xffff, v15;
	v15 =	vadd.s32 v61, v9  }
0x1e3: {  	v0 =	vld [tilespmem:$0x1FC60];
	v15 =	vor.u32 v8, v15;
	[tilespmem:v12+s29+$0x0] =	vst.idx.msk $0xffff, v11;
	v11 =	vor.u32 v26, v10  }
0x1e4: {  	v22 =	vld [tilespmem:$0x1FD00];
	v12 =	vadd.s32 v58, v9;
	v13 =	vor.u32 v33, v13;
	[tilespmem:v17+s29+$0x0] =	vst.idx.msk $0xffff, v16  }
0x1e5: {  	v16 =	vadd.s32 v41, v9;
	v15 =	vor.u32 v32, v15;
	v17 =	vadd.s32 v24, v9  }
0x1e6: {  	v25 =	vld [tilespmem:$0x1FEA0];
	v12 =	vor.u32 v8, v12;
	v16 =	vor.u32 v8, v16;
	v17 =	vor.u32 v8, v17  }
0x1e7: {  	v1 =	vld [tilespmem:$0x1FC90];
	[tilespmem:v20+s29+$0x0] =	vst.idx.msk $0xffff, v18;
	v12 =	vor.u32 v34, v12;
	v18 =	vadd.s32 v23, v9  }
0x1e8: {  	v20 =	vor.u32 v0, v10;
	v0 =	vld [tilespmem:$0x1FC70];
	v17 =	vor.u32 v36, v17;
	[tilespmem:v11+s29+$0x0] =	vst.idx.msk $0xffff, v14  }
0x1e9: {  	v11 =	vor.u32 v35, v16;
	v14 =	vor.u32 v8, v18;
	v16 =	vadd.s32 v22, v9;
	v13 =	vld.idx.msk [tilespmem:v13+s3+$0x0], $0xffff  }
0x1ea: {  	v16 =	vor.u32 v8, v16;
	v15 =	vld.idx.msk [tilespmem:v15+s3+$0x0], $0xffff;
	v14 =	vor.u32 v38, v14  }
0x1eb: {  	v18 =	vld.idx.msk [tilespmem:v19+s3+$0x0], $0xffff;
	v19 =	vor.u32 v25, v10;
	v16 =	vor.u32 v37, v16  }
0x1ec: {  	v12 =	vld.idx.msk [tilespmem:v12+s3+$0x0], $0xffff  }
0x1ed: {  	v0 =	vor.u32 v0, v10;
	v17 =	vld.idx.msk [tilespmem:v17+s3+$0x0], $0xffff  }
0x1ee: {  	v11 =	vld.idx.msk [tilespmem:v11+s3+$0x0], $0xffff  }
0x1ef: {  	v14 =	vld.idx.msk [tilespmem:v14+s3+$0x0], $0xffff  }
0x1f0: {  	v16 =	vld.idx.msk [tilespmem:v16+s3+$0x0], $0xffff;
	[tilespmem:v19+s29+$0x0] =	vst.idx.msk $0xffff, v18  }
0x1f1: {  	v21 =	vor.u32 v57, v10;
	[tilespmem:v20+s29+$0x0] =	vst.idx.msk $0xffff, v15  }
0x1f2: {  	v1 =	vor.u32 v1, v10;
	[tilespmem:v0+s29+$0x0] =	vst.idx.msk $0xffff, v13;
	v0 =	vld [tilespmem:$0x1FCA0]  }
0x1f3: {  	v18 =	vld [tilespmem:$0x1FCE0]  }
0x1f4: {  	v15 =	vld [tilespmem:$0x1FFA0]  }
0x1f5: {  	v50 =	vmov v2;
	v2 =	vmov v3;
	v3 =	vld [tilespmem:$0x1FCB0];
	[tilespmem:v4+s29+$0x0] =	vst.idx.msk $0xffff, v12  }
0x1f6: {  	[tilespmem:v21+s29+$0x0] =	vst.idx.msk $0xffff, v11;
	v21 =	vld [tilespmem:$0x1FFE0]  }
0x1f7: {  	[tilespmem:v1+s29+$0x0] =	vst.idx.msk $0xffff, v17;
	v1 =	vld [tilespmem:$0x1FD20];
	v0 =	vor.u32 v0, v10;
	_ =	sdelay $0x1  }
0x1f8: {  	v55 =	vmov v6;
	[tilespmem:$0x1FC40] =	vst v7;
	v19 =	vld [tilespmem:$0x1FCD0];
	v6 =	vadd.s32 v18, v9;
	v7 =	vadd.s32 v15, v9  }
0x1f9: {  	v20 =	vld [tilespmem:$0x1FFD0];
	v4 =	vor.u32 v3, v10;
	v6 =	vor.u32 v8, v6;
	v7 =	vor.u32 v8, v7  }
0x1fa: {  	[tilespmem:$0x1FC50] =	vst v5;
	v17 =	vld [tilespmem:$0x1FFB0];
	v6 =	vor.u32 v32, v6;
	v7 =	vor.u32 v38, v7  }
0x1fb: {  	v11 =	vadd.s32 v21, v9;
	v5 =	vadd.s32 v1, v9;
	[tilespmem:v0+s29+$0x0] =	vst.idx.msk $0xffff, v16;
	v16 =	vld [tilespmem:$0x1FFC0]  }
0x1fc: {  	v11 =	vor.u32 v8, v11;
	v1 =	vld [tilespmem:$0x1FC40];
	v5 =	vor.u32 v8, v5  }
0x1fd: {  	v11 =	vor.u32 v34, v11;
	v0 =	vadd.s32 v19, v9;
	v5 =	vor.u32 v31, v5  }
0x1fe: {  	v0 =	vor.u32 v8, v0;
	[tilespmem:v4+s29+$0x0] =	vst.idx.msk $0xffff, v14;
	v4 =	vadd.s32 v20, v9  }
0x1ff: {  	v0 =	vor.u32 v33, v0;
	v4 =	vor.u32 v8, v4;
	v6 =	vld.idx.msk [tilespmem:v6+s3+$0x0], $0xffff  }
0x200: {  	v7 =	vld.idx.msk [tilespmem:v7+s3+$0x0], $0xffff;
	v4 =	vor.u32 v35, v4;
	v12 =	vadd.s32 v16, v9  }
0x201: {  	v3 =	vor.u32 v1, v10;
	v1 =	vld [tilespmem:$0x1FCC0];
	v9 =	vadd.s32 v17, v9;
	v12 =	vor.u32 v8, v12  }
0x202: {  	v11 =	vld.idx.msk [tilespmem:v11+s3+$0x0], $0xffff;
	v8 =	vor.u32 v8, v9;
	v9 =	vor.u32 v36, v12  }
0x203: {  	v5 =	vld.idx.msk [tilespmem:v5+s3+$0x0], $0xffff;
	v8 =	vor.u32 v37, v8  }
0x204: {  	v2 =	vor.u32 v2, v10;
	v0 =	vld.idx.msk [tilespmem:v0+s3+$0x0], $0xffff  }
0x205: {  	v12 =	vld [tilespmem:$0x1FC50]  }
0x206: {  	v4 =	vld.idx.msk [tilespmem:v4+s3+$0x0], $0xffff  }
0x207: {  	v9 =	vld.idx.msk [tilespmem:v9+s3+$0x0], $0xffff  }
0x208: {  	v8 =	vld.idx.msk [tilespmem:v8+s3+$0x0], $0xffff;
	[tilespmem:v3+s29+$0x0] =	vst.idx.msk $0xffff, v5  }
0x209: {  	v1 =	vor.u32 v1, v10;
	[tilespmem:v2+s29+$0x0] =	vst.idx.msk $0xffff, v6;
	v6 =	vld [tilespmem:$0x1FF10]  }
0x20a: {  	v12 =	vor.u32 v12, v10  }
0x20b: {  	v13 =	vor.u32 v50, v10  }
0x20c: {  	v3 =	vor.u32 v53, v10  }
0x20d: {  	v2 =	vor.u32 v55, v10  }
0x20e: {  	[tilespmem:v1+s29+$0x0] =	vst.idx.msk $0xffff, v0;
	v0 =	vor.u32 v6, v10  }
0x20f: {  	[tilespmem:v12+s29+$0x0] =	vst.idx.msk $0xffff, v11  }
0x210: {  	[tilespmem:v13+s29+$0x0] =	vst.idx.msk $0xffff, v4  }
0x211: {  	[tilespmem:v3+s29+$0x0] =	vst.idx.msk $0xffff, v9  }
0x212: {  	s31 =	sshll.u32 s4, $0xB;
	[tilespmem:v2+s29+$0x0] =	vst.idx.msk $0xffff, v8  }
0x213: {  	s2 =	sadd.s32 s13, s31;
	[tilespmem:v0+s29+$0x0] =	vst.idx.msk $0xffff, v7  }
0x214: {  	[hbm4b:s2+s3] =	stream.linear.scatter [tilespmem:s29], [sflag:$0x2], $0x4000, $0x38;
	[tilespmem:$0x8000] =	vst v63  }
0x215: {  	_ =	swait.ge [sflag:s30], $0x4000  }
0x216: {  	v24 =	vld [tilespmem:$0x1FF80]  }
0x217: {  	v22 =	vld [tilespmem:$0x1FFF0]  }
0x218: {  	v19 =	vld [tilespmem:$0x1FF90]  }
0x219: {  	v16 =	vld [tilespmem:$0x1FF50]  }
0x21a: {  	v18 =	vld [tilespmem:$0x1FF60]  }
0x21b: {  	v2 =	vmov v27;
	v27 =	vld [tilespmem:$0x1FEB0]  }
.Ltmp6:
0x21c: {  	v1 =	vld [tilespmem:$0x1FEC0];
	(pc) =	sbr.rel .LBB2_6-.Ltmp6, $4  }
0x21d: {  	v3 =	vld [tilespmem:$0x1FED0]  }
0x21e: {  	v4 =	vld [tilespmem:$0x1FEE0]  }
0x21f: {  	[sflag:s30] =	ssyncset.done $0x0;
	v5 =	vld [tilespmem:$0x1FEF0]  }
0x220: {  	v10 =	vmov v29;
	v9 =	vmov v30;
	v8 =	vmov v46;
	v7 =	vld [tilespmem:$0x1FF00];
	[sflag:s30] =	ssyncadd.s32 $0xFFFFC000  }
.LBB2_8:
0x221: {  	_ =	sfence.sel $0x180000  }
0x222: {  	[bflag:$0x0] =	sbarrier.arrive $0xFFFF  }
0x223: {  	_ =	strace $0x90000047  }
0x224: {  	s0 =	stileid.u32;
	[bflag:$0x2] =	sbarrier.arrive $0xFFFF  }
0x225: {  	p0 =	sne.s32 s0, $0x0;
	s0 =	rddreg [dreg:$0x3]  }
0x226: {  	s0 =	sadd.s32 @!p0 $0x100000, s0  }
0x227: {  	[sflag:s0] =	ssyncadd.tile.s32 @!p0 $0x1;
	_ =	shalt  }
.Lfunc_end2:
_tile_overlayer_lowered:
.L_overlay_start_2:
0x228: {  	(tag) =	ssettag $0x2  }
0x229: {  	s0 =	rddreg [dreg:$0x0];
	s2 =	stileid.u32  }
0x22a: {  	s1 =	rddreg [dreg:$0x1];
	p0 =	sne.s32 s2, $0x0  }
0x22b: {  	s3 =	rddreg [dreg:$0x2];
	[bflag:$0x3] =	sbarrier.arrive $0xFFFF;
	s2 =	simm.s32 @!p0 $0x1C03  }
0x22c: {  	[timem:s3], [sflag:s2] =	dma.local @!p0 [hbm:s0], s1  }
0x22d: {  	s0 =	simm.s32 @!p0 $0x3  }
0x22e: {  	_ =	swait.ge @!p0 [sflag:s0], s1  }
0x22f: {  	s1 =	ssub.s32 @!p0 $0x0, s1;
	[sflag:s0] =	ssyncset.done @!p0 $0x0  }
0x230: {  	[sflag:s0] =	ssyncadd.s32 @!p0 s1  }
0x231: {  	[bflag:$0x3] =	sbarrier.arrive $0xFFFF  }
0x232: {  	_ =	shalt  }

</sc_bundles>
